<compile_context>
chip_gen: v7x
topology: tpu7x:2x2x1
jax: 0.10.2.dev20260603
libtpu: 0.0.44.dev20260713+nightly
codegen_flags: <defaults>
</compile_context>

<pallas_src>
import jax
import jax.numpy as jnp
from jax import lax
from jax.experimental import pallas as pl
from jax.experimental.pallas import tpu as pltpu
from jax.experimental.pallas import tpu_sc as plsc

MARGIN = 1.0

NC = 2
NS = 16
NW = NC * NS
L = 16
TW = 128
TBLK = 25


def kernel(outputs, mask):
    pairs = mask.shape[0]
    assert pairs % (TW * TBLK) == 0, pairs
    ntiles = pairs // TW
    nchunks = ntiles // TBLK
    kmax = -(-nchunks // NW)
    assert kmax % 2 == 0, kmax

    nvals = outputs.shape[0]
    slice_sz = 62528
    last_sz = nvals - 15 * slice_sz

    m3 = mask.astype(jnp.int32).reshape(ntiles, TW, 2).transpose(0, 2, 1)

    mesh = plsc.VectorSubcoreMesh(
        core_axis_name="c", subcore_axis_name="s", num_cores=NC, num_subcores=NS
    )

    def body(outputs_hbm, m3_hbm, out_hbm, table_sh,
             ia0, ib0, va0, vb0, ia1, ib1, va1, vb1, acc_v,
             sem_g, sem_i0, sem_i1):
        wid = lax.axis_index("s") * NC + lax.axis_index("c")
        sid = lax.axis_index("s")
        bufs = ((ia0, ib0, va0, vb0, sem_i0), (ia1, ib1, va1, vb1, sem_i1))

        def idx_copies(k, buf):
            ia_v, ib_v, _, _, sem_i = buf
            m = k * NW + wid
            tbase = jnp.where(m < nchunks, m, nchunks - 1) * TBLK
            ca = pltpu.make_async_copy(m3_hbm.at[pl.ds(tbase, TBLK), 0], ia_v, sem_i)
            cb = pltpu.make_async_copy(m3_hbm.at[pl.ds(tbase, TBLK), 1], ib_v, sem_i)
            return ca, cb

        c0a, c0b = idx_copies(jnp.int32(0), bufs[0])
        c0a.start()
        c0b.start()

        @pl.when(sid < 15)
        def _():
            pltpu.sync_copy(
                outputs_hbm.at[pl.ds(sid * slice_sz, slice_sz)],
                table_sh.at[pl.ds(sid * slice_sz, slice_sz)],
            )

        @pl.when(sid == 15)
        def _():
            pltpu.sync_copy(
                outputs_hbm.at[pl.ds(15 * slice_sz, last_sz)],
                table_sh.at[pl.ds(15 * slice_sz, last_sz)],
            )

        plsc.subcore_barrier()

        def super_step(k2, tot):
            for b in range(2):
                k = k2 * 2 + b
                ia_v, ib_v, va_v, vb_v, _ = bufs[b]
                m = k * NW + wid
                valid = m < nchunks

                ca, cb = idx_copies(k, bufs[b])
                ca.wait()
                cb.wait()

                @pl.when(valid)
                def _():
                    def fire(j, _):
                        pltpu.async_copy(table_sh.at[ia_v.at[j]], va_v.at[j], sem_g)
                        pltpu.async_copy(table_sh.at[ib_v.at[j]], vb_v.at[j], sem_g)
                        return 0

                    lax.fori_loop(0, TBLK, fire, 0)

                @pl.when(k + 1 < kmax)
                def _():
                    na, nb = idx_copies(k + 1, bufs[1 - b])
                    na.start()
                    nb.start()

                def row_step(j, acc):
                    @pl.when(valid)
                    def _():
                        pltpu.make_async_copy(table_sh.at[ia_v.at[j]], va_v.at[j], sem_g).wait()
                        pltpu.make_async_copy(table_sh.at[ib_v.at[j]], vb_v.at[j], sem_g).wait()

                    for g in range(TW // L):
                        va = va_v[j, pl.ds(g * L, L)]
                        vb = vb_v[j, pl.ds(g * L, L)]
                        acc = acc + jnp.maximum(MARGIN - (va - vb), 0.0)
                    return acc

                csum = lax.fori_loop(0, TBLK, row_step, jnp.zeros((L,), jnp.float32))
                tot = tot + jnp.where(valid, csum, 0.0)
            return tot

        tot = lax.fori_loop(0, kmax // 2, super_step, jnp.zeros((L,), jnp.float32))
        acc_v[...] = tot
        pltpu.sync_copy(acc_v, out_hbm.at[wid])

    run = pl.kernel(
        body,
        out_type=jax.ShapeDtypeStruct((NW, L), jnp.float32),
        mesh=mesh,
        compiler_params=pltpu.CompilerParams(
            needs_layout_passes=False,
            use_tc_tiling_on_sc=False,
            disable_bounds_checks=True,
        ),
        scratch_types=[
            pltpu.VMEM_SHARED((1_000_000,), jnp.float32),
            pltpu.VMEM((TBLK, TW), jnp.int32),
            pltpu.VMEM((TBLK, TW), jnp.int32),
            pltpu.VMEM((TBLK, TW), jnp.float32),
            pltpu.VMEM((TBLK, TW), jnp.float32),
            pltpu.VMEM((TBLK, TW), jnp.int32),
            pltpu.VMEM((TBLK, TW), jnp.int32),
            pltpu.VMEM((TBLK, TW), jnp.float32),
            pltpu.VMEM((TBLK, TW), jnp.float32),
            pltpu.VMEM((L,), jnp.float32),
            pltpu.SemaphoreType.DMA,
            pltpu.SemaphoreType.DMA,
            pltpu.SemaphoreType.DMA,
        ],
    )
    partials = run(outputs, m3)
    return jnp.sum(partials) / jnp.float32(pairs)

# --- scband reference (transcript-rebuilt; emitter-appended) ---
"""Pipeline reference for scband-custom-margin-ranking-loss-25744033973159 (READ-ONLY COPY).

The authoritative reference and input builder live on the scoring server;
editing this copy changes nothing except your own understanding.
"""

import jax, jax.numpy as jnp
import numpy as np

MARGIN = 1.0
REDUCTION = 'mean'

def setup_inputs(seed: int = 0) -> dict:
    key = jax.random.key(seed)
    k1, k2 = jax.random.split(key)
    outputs = jax.random.normal(k1, (1000000,), dtype=jnp.float32)
    mask = jax.random.randint(k2, (2000000, 2), 0, 1000000, dtype=jnp.int64)
    return {"outputs": outputs, "mask": mask}

def _reduce(loss, reduction):
    if reduction == 'none':
        return loss
    elif reduction == 'mean':
        return loss.mean()
    elif reduction == 'sum':
        return loss.sum()
    else:
        raise ValueError(f'Unknown reduction {reduction}')

def reference(outputs, mask):
    diff = jnp.take(outputs, mask[:, 0]) - jnp.take(outputs, mask[:, 1])
    per_pair = jnp.maximum(jnp.zeros_like(diff), MARGIN - diff)
    return _reduce(per_pair, REDUCTION)

if __name__ == "__main__":
    import jax
    _d = setup_inputs()
    print(jax.jit(kernel)(*tuple(_d.values())))

</pallas_src>

<mosaic_0001>
#map = affine_map<(d0, d1) -> (0)>
#map1 = affine_map<(d0, d1) -> (0, 0, 0)>
#map2 = affine_map<(d0, d1) -> (0, 0)>
module attributes {stable_mosaic.version = 14 : i64} {
  func.func @body(%arg0: i32, %arg1: i32, %arg2: memref<1000000xf32, #tpu.memory_space<hbm>>, %arg3: memref<15625x2x128xi32, #tpu.memory_space<hbm>>, %arg4: memref<32x16xf32, #tpu.memory_space<hbm>>, %arg5: memref<1000000xf32, #tpu.memory_space<vmem_shared>>, %arg6: memref<25x128xi32, #tpu.memory_space<vmem>>, %arg7: memref<25x128xi32, #tpu.memory_space<vmem>>, %arg8: memref<25x128xf32, #tpu.memory_space<vmem>>, %arg9: memref<25x128xf32, #tpu.memory_space<vmem>>, %arg10: memref<25x128xi32, #tpu.memory_space<vmem>>, %arg11: memref<25x128xi32, #tpu.memory_space<vmem>>, %arg12: memref<25x128xf32, #tpu.memory_space<vmem>>, %arg13: memref<25x128xf32, #tpu.memory_space<vmem>>, %arg14: memref<16xf32, #tpu.memory_space<vmem>>, %arg15: memref<!tpu.dma_semaphore, #tpu.memory_space<semaphore_mem>>, %arg16: memref<!tpu.dma_semaphore, #tpu.memory_space<semaphore_mem>>, %arg17: memref<!tpu.dma_semaphore, #tpu.memory_space<semaphore_mem>>) attributes {dimension_semantics = [#tpu.dimension_semantics<core_parallel>, #tpu.dimension_semantics<subcore_parallel>], iteration_bounds = array<i64: 2, 16>, scalar_prefetch = 0 : i64, scratch_operands = 13 : i64, tpu.core_type = #tpu.core_type<sc_vector_subcore>, window_params = [{transform_indices = #map}, {transform_indices = #map1}, {transform_indices = #map2}]} {
    %mul3A = arith.constant 2 : i32
    %mul3A_0 = arith.muli %arg1, %mul3A : i32
    %add3A = arith.addi %mul3A_0, %arg0 : i32
    %mul3A_1 = arith.constant 0 : i32
    %mul3A_2 = arith.constant 32 : i32
    %mul3A_3 = arith.muli %mul3A_1, %mul3A_2 : i32
    %add3A_4 = arith.addi %mul3A_3, %add3A : i32
    %lt3A = arith.constant 625 : i32
    %lt3A_5 = arith.cmpi slt, %add3A_4, %lt3A : i32
    %jit3A = arith.constant 624 : i32
    %select_n3A = arith.select %lt3A_5, %add3A_4, %jit3A : i32
    %mul3A_6 = arith.constant 25 : i32
    %mul3A_7 = arith.muli %select_n3A, %mul3A_6 : i32
    %dma_start3A = arith.constant 0 : i32
    %dma_start3A_8 = arith.constant 0 : i32
    %dma_start3A_9 = tpu.memref_slice %arg3[%mul3A_7, %dma_start3A, %dma_start3A_8] : memref<15625x2x128xi32, #tpu.memory_space<hbm>> -> memref<25x1x128xi32, #tpu.memory_space<hbm>>
    %dma_start3A_10 = tpu.memref_squeeze %dma_start3A_9 : memref<25x1x128xi32, #tpu.memory_space<hbm>> -> memref<25x128xi32, #tpu.memory_space<hbm>>
    %dma_start3A_11 = arith.constant 0 : i32
    %dma_start3A_12 = tpu.memref_slice %arg3[%mul3A_7, %dma_start3A, %dma_start3A_11] : memref<15625x2x128xi32, #tpu.memory_space<hbm>> -> memref<25x1x128xi32, #tpu.memory_space<hbm>>
    %dma_start3A_13 = tpu.memref_squeeze %dma_start3A_12 : memref<25x1x128xi32, #tpu.memory_space<hbm>> -> memref<25x128xi32, #tpu.memory_space<hbm>>
    tpu.enqueue_dma source(%dma_start3A_13 : memref<25x128xi32, #tpu.memory_space<hbm>>) target(%arg6 : memref<25x128xi32, #tpu.memory_space<vmem>>) target_semaphore(%arg16 : memref<!tpu.dma_semaphore, #tpu.memory_space<semaphore_mem>>)
    %dma_start3A_14 = arith.constant 1 : i32
    %dma_start3A_15 = arith.constant 0 : i32
    %dma_start3A_16 = tpu.memref_slice %arg3[%mul3A_7, %dma_start3A_14, %dma_start3A_15] : memref<15625x2x128xi32, #tpu.memory_space<hbm>> -> memref<25x1x128xi32, #tpu.memory_space<hbm>>
    %dma_start3A_17 = tpu.memref_squeeze %dma_start3A_16 : memref<25x1x128xi32, #tpu.memory_space<hbm>> -> memref<25x128xi32, #tpu.memory_space<hbm>>
    %dma_start3A_18 = arith.constant 0 : i32
    %dma_start3A_19 = tpu.memref_slice %arg3[%mul3A_7, %dma_start3A_14, %dma_start3A_18] : memref<15625x2x128xi32, #tpu.memory_space<hbm>> -> memref<25x1x128xi32, #tpu.memory_space<hbm>>
    %dma_start3A_20 = tpu.memref_squeeze %dma_start3A_19 : memref<25x1x128xi32, #tpu.memory_space<hbm>> -> memref<25x128xi32, #tpu.memory_space<hbm>>
    tpu.enqueue_dma source(%dma_start3A_20 : memref<25x128xi32, #tpu.memory_space<hbm>>) target(%arg7 : memref<25x128xi32, #tpu.memory_space<vmem>>) target_semaphore(%arg16 : memref<!tpu.dma_semaphore, #tpu.memory_space<semaphore_mem>>)
    %lt3A_21 = arith.constant 15 : i32
    %lt3A_22 = arith.cmpi slt, %arg1, %lt3A_21 : i32
    %convert_element_type3A = arith.extui %lt3A_22 : i1 to i32
    %cond3A = arith.constant 0 : i32
    %cond3A_23 = arith.cmpi ne, %convert_element_type3A, %cond3A : i32
    scf.if %cond3A_23 {
      %mul3A_35 = arith.constant 62528 : i32
      %mul3A_36 = arith.muli %arg1, %mul3A_35 : i32
      %mul3A_37 = arith.constant 62528 : i32
      %mul3A_38 = arith.muli %arg1, %mul3A_37 : i32
      "tpu.region"() ({
        %run_scoped3A = tpu.sem_alloc : memref<!tpu.dma_semaphore, #tpu.memory_space<semaphore_mem>>
        %dma_start3A_39 = tpu.memref_slice %arg5[%mul3A_38] : memref<1000000xf32, #tpu.memory_space<vmem_shared>> -> memref<62528xf32, #tpu.memory_space<vmem_shared>>
        %dma_start3A_40 = tpu.memref_slice %arg2[%mul3A_36] : memref<1000000xf32, #tpu.memory_space<hbm>> -> memref<62528xf32, #tpu.memory_space<hbm>>
        tpu.enqueue_dma source(%dma_start3A_40 : memref<62528xf32, #tpu.memory_space<hbm>>) target(%dma_start3A_39 : memref<62528xf32, #tpu.memory_space<vmem_shared>>) target_semaphore(%run_scoped3A : memref<!tpu.dma_semaphore, #tpu.memory_space<semaphore_mem>>)
        %dma_wait3A = tpu.memref_slice %arg5[%mul3A_38] : memref<1000000xf32, #tpu.memory_space<vmem_shared>> -> memref<62528xf32, #tpu.memory_space<vmem_shared>>
        %dma_wait3A_41 = tpu.memref_slice %arg2[%mul3A_36] : memref<1000000xf32, #tpu.memory_space<hbm>> -> memref<62528xf32, #tpu.memory_space<hbm>>
        tpu.wait_dma2 semaphore(%run_scoped3A : memref<!tpu.dma_semaphore, #tpu.memory_space<semaphore_mem>>) src(%dma_wait3A_41 : memref<62528xf32, #tpu.memory_space<hbm>>) dst(%dma_wait3A : memref<62528xf32, #tpu.memory_space<vmem_shared>>)
        tpu.yield
      }) : () -> ()
    } else {
    }
    %eq3A = arith.constant 15 : i32
    %eq3A_24 = arith.cmpi eq, %arg1, %eq3A : i32
    %convert_element_type3A_25 = arith.extui %eq3A_24 : i1 to i32
    %cond3A_26 = arith.constant 0 : i32
    %cond3A_27 = arith.cmpi ne, %convert_element_type3A_25, %cond3A_26 : i32
    scf.if %cond3A_27 {
      "tpu.region"() ({
        %run_scoped3A = tpu.sem_alloc : memref<!tpu.dma_semaphore, #tpu.memory_space<semaphore_mem>>
        %dma_start3A_35 = arith.constant 937920 : i32
        %dma_start3A_36 = tpu.memref_slice %arg5[%dma_start3A_35] : memref<1000000xf32, #tpu.memory_space<vmem_shared>> -> memref<62080xf32, #tpu.memory_space<vmem_shared>>
        %dma_start3A_37 = arith.constant 937920 : i32
        %dma_start3A_38 = tpu.memref_slice %arg2[%dma_start3A_37] : memref<1000000xf32, #tpu.memory_space<hbm>> -> memref<62080xf32, #tpu.memory_space<hbm>>
        tpu.enqueue_dma source(%dma_start3A_38 : memref<62080xf32, #tpu.memory_space<hbm>>) target(%dma_start3A_36 : memref<62080xf32, #tpu.memory_space<vmem_shared>>) target_semaphore(%run_scoped3A : memref<!tpu.dma_semaphore, #tpu.memory_space<semaphore_mem>>)
        %dma_wait3A = arith.constant 937920 : i32
        %dma_wait3A_39 = tpu.memref_slice %arg5[%dma_wait3A] : memref<1000000xf32, #tpu.memory_space<vmem_shared>> -> memref<62080xf32, #tpu.memory_space<vmem_shared>>
        %dma_wait3A_40 = arith.constant 937920 : i32
        %dma_wait3A_41 = tpu.memref_slice %arg2[%dma_wait3A_40] : memref<1000000xf32, #tpu.memory_space<hbm>> -> memref<62080xf32, #tpu.memory_space<hbm>>
        tpu.wait_dma2 semaphore(%run_scoped3A : memref<!tpu.dma_semaphore, #tpu.memory_space<semaphore_mem>>) src(%dma_wait3A_41 : memref<62080xf32, #tpu.memory_space<hbm>>) dst(%dma_wait3A_39 : memref<62080xf32, #tpu.memory_space<vmem_shared>>)
        tpu.yield
      }) : () -> ()
    } else {
    }
    %barrier3A = arith.constant 0 : index
    tpu.barrier barrier_id(%barrier3A)
    %broadcast_in_dim3A = arith.constant 0.000000e+00 : f32
    %broadcast_in_dim3A_28 = vector.broadcast %broadcast_in_dim3A : f32 to vector<16xf32>
    %scan3A = arith.constant 0 : i32
    %scan3A_29 = arith.constant 10 : i32
    %scan3A_30 = arith.addi %scan3A, %scan3A_29 : i32
    %scan3A_31 = arith.constant 1 : i32
    %scan3A_32 = scf.for %scan3A_35 = %scan3A to %scan3A_30 step %scan3A_31 iter_args(%scan3A_36 = %broadcast_in_dim3A_28) -> (vector<16xf32>)  : i32 {
      %mul3A_37 = arith.constant 2 : i32
      %mul3A_38 = arith.muli %scan3A_35, %mul3A_37 : i32
      %add3A_39 = arith.constant 0 : i32
      %add3A_40 = arith.addi %mul3A_38, %add3A_39 : i32
      %mul3A_41 = arith.constant 32 : i32
      %mul3A_42 = arith.muli %add3A_40, %mul3A_41 : i32
      %add3A_43 = arith.addi %mul3A_42, %add3A : i32
      %lt3A_44 = arith.constant 625 : i32
      %lt3A_45 = arith.cmpi slt, %add3A_43, %lt3A_44 : i32
      %mul3A_46 = arith.constant 32 : i32
      %mul3A_47 = arith.muli %add3A_40, %mul3A_46 : i32
      %add3A_48 = arith.addi %mul3A_47, %add3A : i32
      %lt3A_49 = arith.constant 625 : i32
      %lt3A_50 = arith.cmpi slt, %add3A_48, %lt3A_49 : i32
      %jit3A_51 = arith.constant 624 : i32
      %select_n3A_52 = arith.select %lt3A_50, %add3A_48, %jit3A_51 : i32
      %mul3A_53 = arith.constant 25 : i32
      %mul3A_54 = arith.muli %select_n3A_52, %mul3A_53 : i32
      %dma_wait3A = arith.constant 0 : i32
      %dma_wait3A_55 = arith.constant 0 : i32
      %dma_wait3A_56 = tpu.memref_slice %arg3[%mul3A_54, %dma_wait3A, %dma_wait3A_55] : memref<15625x2x128xi32, #tpu.memory_space<hbm>> -> memref<25x1x128xi32, #tpu.memory_space<hbm>>
      %dma_wait3A_57 = tpu.memref_squeeze %dma_wait3A_56 : memref<25x1x128xi32, #tpu.memory_space<hbm>> -> memref<25x128xi32, #tpu.memory_space<hbm>>
      %dma_wait3A_58 = arith.constant 0 : i32
      %dma_wait3A_59 = tpu.memref_slice %arg3[%mul3A_54, %dma_wait3A, %dma_wait3A_58] : memref<15625x2x128xi32, #tpu.memory_space<hbm>> -> memref<25x1x128xi32, #tpu.memory_space<hbm>>
      %dma_wait3A_60 = tpu.memref_squeeze %dma_wait3A_59 : memref<25x1x128xi32, #tpu.memory_space<hbm>> -> memref<25x128xi32, #tpu.memory_space<hbm>>
      tpu.wait_dma2 semaphore(%arg16 : memref<!tpu.dma_semaphore, #tpu.memory_space<semaphore_mem>>) src(%dma_wait3A_60 : memref<25x128xi32, #tpu.memory_space<hbm>>) dst(%arg6 : memref<25x128xi32, #tpu.memory_space<vmem>>)
      %dma_wait3A_61 = arith.constant 1 : i32
      %dma_wait3A_62 = arith.constant 0 : i32
      %dma_wait3A_63 = tpu.memref_slice %arg3[%mul3A_54, %dma_wait3A_61, %dma_wait3A_62] : memref<15625x2x128xi32, #tpu.memory_space<hbm>> -> memref<25x1x128xi32, #tpu.memory_space<hbm>>
      %dma_wait3A_64 = tpu.memref_squeeze %dma_wait3A_63 : memref<25x1x128xi32, #tpu.memory_space<hbm>> -> memref<25x128xi32, #tpu.memory_space<hbm>>
      %dma_wait3A_65 = arith.constant 0 : i32
      %dma_wait3A_66 = tpu.memref_slice %arg3[%mul3A_54, %dma_wait3A_61, %dma_wait3A_65] : memref<15625x2x128xi32, #tpu.memory_space<hbm>> -> memref<25x1x128xi32, #tpu.memory_space<hbm>>
      %dma_wait3A_67 = tpu.memref_squeeze %dma_wait3A_66 : memref<25x1x128xi32, #tpu.memory_space<hbm>> -> memref<25x128xi32, #tpu.memory_space<hbm>>
      tpu.wait_dma2 semaphore(%arg16 : memref<!tpu.dma_semaphore, #tpu.memory_space<semaphore_mem>>) src(%dma_wait3A_67 : memref<25x128xi32, #tpu.memory_space<hbm>>) dst(%arg7 : memref<25x128xi32, #tpu.memory_space<vmem>>)
      %convert_element_type3A_68 = arith.extui %lt3A_45 : i1 to i32
      %cond3A_69 = arith.constant 0 : i32
      %cond3A_70 = arith.cmpi ne, %convert_element_type3A_68, %cond3A_69 : i32
      scf.if %cond3A_70 {
        %scan3A_144 = arith.constant 0 : i32
        %scan3A_145 = arith.constant 0 : i32
        %scan3A_146 = arith.constant 25 : i32
        %scan3A_147 = arith.addi %scan3A_145, %scan3A_146 : i32
        %scan3A_148 = arith.constant 1 : i32
        %scan3A_149 = scf.for %scan3A_151 = %scan3A_145 to %scan3A_147 step %scan3A_148 iter_args(%scan3A_152 = %scan3A_144) -> (i32)  : i32 {
          %dma_start3A_153 = arith.constant 0 : i32
          %dma_start3A_154 = tpu.memref_slice %arg8[%scan3A_151, %dma_start3A_153] : memref<25x128xf32, #tpu.memory_space<vmem>> -> memref<1x128xf32, #tpu.memory_space<vmem>>
          %dma_start3A_155 = tpu.memref_squeeze %dma_start3A_154 : memref<1x128xf32, #tpu.memory_space<vmem>> -> memref<128xf32, #tpu.memory_space<vmem>>
          %dma_start3A_156 = arith.constant 0 : i32
          %dma_start3A_157 = tpu.memref_slice %arg6[%scan3A_151, %dma_start3A_156] : memref<25x128xi32, #tpu.memory_space<vmem>> -> memref<1x128xi32, #tpu.memory_space<vmem>>
          %dma_start3A_158 = tpu.memref_squeeze %dma_start3A_157 : memref<1x128xi32, #tpu.memory_space<vmem>> -> memref<128xi32, #tpu.memory_space<vmem>>
          %dma_start3A_159 = arith.constant 0 : i32
          %dma_start3A_160 = tpu.memref_slice %arg5[%dma_start3A_159] : memref<1000000xf32, #tpu.memory_space<vmem_shared>> -> memref<1000000xf32, #tpu.memory_space<vmem_shared>>
          tpu.enqueue_indirect_dma source(%dma_start3A_160 : memref<1000000xf32, #tpu.memory_space<vmem_shared>>) target(%dma_start3A_155 : memref<128xf32, #tpu.memory_space<vmem>>) offsets(%dma_start3A_158 : memref<128xi32, #tpu.memory_space<vmem>>) semaphore(%arg15 : memref<!tpu.dma_semaphore, #tpu.memory_space<semaphore_mem>>)
          %dma_start3A_161 = arith.constant 0 : i32
          %dma_start3A_162 = tpu.memref_slice %arg9[%scan3A_151, %dma_start3A_161] : memref<25x128xf32, #tpu.memory_space<vmem>> -> memref<1x128xf32, #tpu.memory_space<vmem>>
          %dma_start3A_163 = tpu.memref_squeeze %dma_start3A_162 : memref<1x128xf32, #tpu.memory_space<vmem>> -> memref<128xf32, #tpu.memory_space<vmem>>
          %dma_start3A_164 = arith.constant 0 : i32
          %dma_start3A_165 = tpu.memref_slice %arg7[%scan3A_151, %dma_start3A_164] : memref<25x128xi32, #tpu.memory_space<vmem>> -> memref<1x128xi32, #tpu.memory_space<vmem>>
          %dma_start3A_166 = tpu.memref_squeeze %dma_start3A_165 : memref<1x128xi32, #tpu.memory_space<vmem>> -> memref<128xi32, #tpu.memory_space<vmem>>
          %dma_start3A_167 = arith.constant 0 : i32
          %dma_start3A_168 = tpu.memref_slice %arg5[%dma_start3A_167] : memref<1000000xf32, #tpu.memory_space<vmem_shared>> -> memref<1000000xf32, #tpu.memory_space<vmem_shared>>
          tpu.enqueue_indirect_dma source(%dma_start3A_168 : memref<1000000xf32, #tpu.memory_space<vmem_shared>>) target(%dma_start3A_163 : memref<128xf32, #tpu.memory_space<vmem>>) offsets(%dma_start3A_166 : memref<128xi32, #tpu.memory_space<vmem>>) semaphore(%arg15 : memref<!tpu.dma_semaphore, #tpu.memory_space<semaphore_mem>>)
          %scan3A_169 = arith.constant 0 : i32
          scf.yield %scan3A_169 : i32
        }
        %scan3A_150 = arith.constant 25 : i32
      } else {
      }
      %add3A_71 = arith.constant 1 : i32
      %add3A_72 = arith.addi %add3A_40, %add3A_71 : i32
      %lt3A_73 = arith.constant 20 : i32
      %lt3A_74 = arith.cmpi slt, %add3A_72, %lt3A_73 : i32
      %convert_element_type3A_75 = arith.extui %lt3A_74 : i1 to i32
      %cond3A_76 = arith.constant 0 : i32
      %cond3A_77 = arith.cmpi ne, %convert_element_type3A_75, %cond3A_76 : i32
      scf.if %cond3A_77 {
        %add3A_144 = arith.constant 1 : i32
        %add3A_145 = arith.addi %add3A_40, %add3A_144 : i32
        %mul3A_146 = arith.constant 32 : i32
        %mul3A_147 = arith.muli %add3A_145, %mul3A_146 : i32
        %add3A_148 = arith.addi %mul3A_147, %add3A : i32
        %lt3A_149 = arith.constant 625 : i32
        %lt3A_150 = arith.cmpi slt, %add3A_148, %lt3A_149 : i32
        %jit3A_151 = arith.constant 624 : i32
        %select_n3A_152 = arith.select %lt3A_150, %add3A_148, %jit3A_151 : i32
        %mul3A_153 = arith.constant 25 : i32
        %mul3A_154 = arith.muli %select_n3A_152, %mul3A_153 : i32
        %dma_start3A_155 = arith.constant 0 : i32
        %dma_start3A_156 = arith.constant 0 : i32
        %dma_start3A_157 = tpu.memref_slice %arg3[%mul3A_154, %dma_start3A_155, %dma_start3A_156] : memref<15625x2x128xi32, #tpu.memory_space<hbm>> -> memref<25x1x128xi32, #tpu.memory_space<hbm>>
        %dma_start3A_158 = tpu.memref_squeeze %dma_start3A_157 : memref<25x1x128xi32, #tpu.memory_space<hbm>> -> memref<25x128xi32, #tpu.memory_space<hbm>>
        %dma_start3A_159 = arith.constant 0 : i32
        %dma_start3A_160 = tpu.memref_slice %arg3[%mul3A_154, %dma_start3A_155, %dma_start3A_159] : memref<15625x2x128xi32, #tpu.memory_space<hbm>> -> memref<25x1x128xi32, #tpu.memory_space<hbm>>
        %dma_start3A_161 = tpu.memref_squeeze %dma_start3A_160 : memref<25x1x128xi32, #tpu.memory_space<hbm>> -> memref<25x128xi32, #tpu.memory_space<hbm>>
        tpu.enqueue_dma source(%dma_start3A_161 : memref<25x128xi32, #tpu.memory_space<hbm>>) target(%arg10 : memref<25x128xi32, #tpu.memory_space<vmem>>) target_semaphore(%arg17 : memref<!tpu.dma_semaphore, #tpu.memory_space<semaphore_mem>>)
        %dma_start3A_162 = arith.constant 1 : i32
        %dma_start3A_163 = arith.constant 0 : i32
        %dma_start3A_164 = tpu.memref_slice %arg3[%mul3A_154, %dma_start3A_162, %dma_start3A_163] : memref<15625x2x128xi32, #tpu.memory_space<hbm>> -> memref<25x1x128xi32, #tpu.memory_space<hbm>>
        %dma_start3A_165 = tpu.memref_squeeze %dma_start3A_164 : memref<25x1x128xi32, #tpu.memory_space<hbm>> -> memref<25x128xi32, #tpu.memory_space<hbm>>
        %dma_start3A_166 = arith.constant 0 : i32
        %dma_start3A_167 = tpu.memref_slice %arg3[%mul3A_154, %dma_start3A_162, %dma_start3A_166] : memref<15625x2x128xi32, #tpu.memory_space<hbm>> -> memref<25x1x128xi32, #tpu.memory_space<hbm>>
        %dma_start3A_168 = tpu.memref_squeeze %dma_start3A_167 : memref<25x1x128xi32, #tpu.memory_space<hbm>> -> memref<25x128xi32, #tpu.memory_space<hbm>>
        tpu.enqueue_dma source(%dma_start3A_168 : memref<25x128xi32, #tpu.memory_space<hbm>>) target(%arg11 : memref<25x128xi32, #tpu.memory_space<vmem>>) target_semaphore(%arg17 : memref<!tpu.dma_semaphore, #tpu.memory_space<semaphore_mem>>)
      } else {
      }
      %broadcast_in_dim3A_78 = arith.constant 0.000000e+00 : f32
      %broadcast_in_dim3A_79 = vector.broadcast %broadcast_in_dim3A_78 : f32 to vector<16xf32>
      %scan3A_80 = arith.constant 0 : i32
      %scan3A_81 = arith.constant 25 : i32
      %scan3A_82 = arith.addi %scan3A_80, %scan3A_81 : i32
      %scan3A_83 = arith.constant 1 : i32
      %scan3A_84 = scf.for %scan3A_144 = %scan3A_80 to %scan3A_82 step %scan3A_83 iter_args(%scan3A_145 = %broadcast_in_dim3A_79) -> (vector<16xf32>)  : i32 {
        %convert_element_type3A_146 = arith.extui %lt3A_45 : i1 to i32
        %cond3A_147 = arith.constant 0 : i32
        %cond3A_148 = arith.cmpi ne, %convert_element_type3A_146, %cond3A_147 : i32
        scf.if %cond3A_148 {
          %dma_wait3A_258 = arith.constant 0 : i32
          %dma_wait3A_259 = tpu.memref_slice %arg8[%scan3A_144, %dma_wait3A_258] : memref<25x128xf32, #tpu.memory_space<vmem>> -> memref<1x128xf32, #tpu.memory_space<vmem>>
          %dma_wait3A_260 = tpu.memref_squeeze %dma_wait3A_259 : memref<1x128xf32, #tpu.memory_space<vmem>> -> memref<128xf32, #tpu.memory_space<vmem>>
          %dma_wait3A_261 = arith.constant 0 : i32
          %dma_wait3A_262 = tpu.memref_slice %arg6[%scan3A_144, %dma_wait3A_261] : memref<25x128xi32, #tpu.memory_space<vmem>> -> memref<1x128xi32, #tpu.memory_space<vmem>>
          %dma_wait3A_263 = tpu.memref_squeeze %dma_wait3A_262 : memref<1x128xi32, #tpu.memory_space<vmem>> -> memref<128xi32, #tpu.memory_space<vmem>>
          %dma_wait3A_264 = arith.constant 0 : i32
          %dma_wait3A_265 = tpu.memref_slice %arg5[%dma_wait3A_264] : memref<1000000xf32, #tpu.memory_space<vmem_shared>> -> memref<1000000xf32, #tpu.memory_space<vmem_shared>>
          tpu.wait_indirect_dma semaphore(%arg15 : memref<!tpu.dma_semaphore, #tpu.memory_space<semaphore_mem>>) src(%dma_wait3A_265 : memref<1000000xf32, #tpu.memory_space<vmem_shared>>) dst(%dma_wait3A_260 : memref<128xf32, #tpu.memory_space<vmem>>)
          %dma_wait3A_266 = arith.constant 0 : i32
          %dma_wait3A_267 = tpu.memref_slice %arg9[%scan3A_144, %dma_wait3A_266] : memref<25x128xf32, #tpu.memory_space<vmem>> -> memref<1x128xf32, #tpu.memory_space<vmem>>
          %dma_wait3A_268 = tpu.memref_squeeze %dma_wait3A_267 : memref<1x128xf32, #tpu.memory_space<vmem>> -> memref<128xf32, #tpu.memory_space<vmem>>
          %dma_wait3A_269 = arith.constant 0 : i32
          %dma_wait3A_270 = tpu.memref_slice %arg7[%scan3A_144, %dma_wait3A_269] : memref<25x128xi32, #tpu.memory_space<vmem>> -> memref<1x128xi32, #tpu.memory_space<vmem>>
          %dma_wait3A_271 = tpu.memref_squeeze %dma_wait3A_270 : memref<1x128xi32, #tpu.memory_space<vmem>> -> memref<128xi32, #tpu.memory_space<vmem>>
          %dma_wait3A_272 = arith.constant 0 : i32
          %dma_wait3A_273 = tpu.memref_slice %arg5[%dma_wait3A_272] : memref<1000000xf32, #tpu.memory_space<vmem_shared>> -> memref<1000000xf32, #tpu.memory_space<vmem_shared>>
          tpu.wait_indirect_dma semaphore(%arg15 : memref<!tpu.dma_semaphore, #tpu.memory_space<semaphore_mem>>) src(%dma_wait3A_273 : memref<1000000xf32, #tpu.memory_space<vmem_shared>>) dst(%dma_wait3A_268 : memref<128xf32, #tpu.memory_space<vmem>>)
        } else {
        }
        %get3A = arith.index_cast %scan3A_144 : i32 to index
        %get3A_149 = arith.constant 0 : index
        %get3A_150 = tpu.vector_load %arg8[%get3A, %get3A_149] {strides = array<i32>} : memref<25x128xf32, #tpu.memory_space<vmem>>, vector<16xf32>,
        %get3A_151 = arith.index_cast %scan3A_144 : i32 to index
        %get3A_152 = arith.constant 0 : index
        %get3A_153 = tpu.vector_load %arg9[%get3A_151, %get3A_152] {strides = array<i32>} : memref<25x128xf32, #tpu.memory_space<vmem>>, vector<16xf32>,
        %sub3A = arith.subf %get3A_150, %get3A_153 : vector<16xf32>
        %sub3A_154 = arith.constant 1.000000e+00 : f32
        %sub3A_155 = vector.broadcast %sub3A_154 : f32 to vector<16xf32>
        %sub3A_156 = arith.subf %sub3A_155, %sub3A : vector<16xf32>
        %max3A = arith.constant 0.000000e+00 : f32
        %max3A_157 = vector.broadcast %max3A : f32 to vector<16xf32>
        %max3A_158 = arith.maximumf %sub3A_156, %max3A_157 : vector<16xf32>
        %add3A_159 = arith.addf %scan3A_145, %max3A_158 : vector<16xf32>
        %get3A_160 = arith.index_cast %scan3A_144 : i32 to index
        %get3A_161 = arith.constant 16 : index
        %get3A_162 = tpu.vector_load %arg8[%get3A_160, %get3A_161] {strides = array<i32>} : memref<25x128xf32, #tpu.memory_space<vmem>>, vector<16xf32>,
        %get3A_163 = arith.index_cast %scan3A_144 : i32 to index
        %get3A_164 = arith.constant 16 : index
        %get3A_165 = tpu.vector_load %arg9[%get3A_163, %get3A_164] {strides = array<i32>} : memref<25x128xf32, #tpu.memory_space<vmem>>, vector<16xf32>,
        %sub3A_166 = arith.subf %get3A_162, %get3A_165 : vector<16xf32>
        %sub3A_167 = arith.constant 1.000000e+00 : f32
        %sub3A_168 = vector.broadcast %sub3A_167 : f32 to vector<16xf32>
        %sub3A_169 = arith.subf %sub3A_168, %sub3A_166 : vector<16xf32>
        %max3A_170 = arith.constant 0.000000e+00 : f32
        %max3A_171 = vector.broadcast %max3A_170 : f32 to vector<16xf32>
        %max3A_172 = arith.maximumf %sub3A_169, %max3A_171 : vector<16xf32>
        %add3A_173 = arith.addf %add3A_159, %max3A_172 : vector<16xf32>
        %get3A_174 = arith.index_cast %scan3A_144 : i32 to index
        %get3A_175 = arith.constant 32 : index
        %get3A_176 = tpu.vector_load %arg8[%get3A_174, %get3A_175] {strides = array<i32>} : memref<25x128xf32, #tpu.memory_space<vmem>>, vector<16xf32>,
        %get3A_177 = arith.index_cast %scan3A_144 : i32 to index
        %get3A_178 = arith.constant 32 : index
        %get3A_179 = tpu.vector_load %arg9[%get3A_177, %get3A_178] {strides = array<i32>} : memref<25x128xf32, #tpu.memory_space<vmem>>, vector<16xf32>,
        %sub3A_180 = arith.subf %get3A_176, %get3A_179 : vector<16xf32>
        %sub3A_181 = arith.constant 1.000000e+00 : f32
        %sub3A_182 = vector.broadcast %sub3A_181 : f32 to vector<16xf32>
        %sub3A_183 = arith.subf %sub3A_182, %sub3A_180 : vector<16xf32>
        %max3A_184 = arith.constant 0.000000e+00 : f32
        %max3A_185 = vector.broadcast %max3A_184 : f32 to vector<16xf32>
        %max3A_186 = arith.maximumf %sub3A_183, %max3A_185 : vector<16xf32>
        %add3A_187 = arith.addf %add3A_173, %max3A_186 : vector<16xf32>
        %get3A_188 = arith.index_cast %scan3A_144 : i32 to index
        %get3A_189 = arith.constant 48 : index
        %get3A_190 = tpu.vector_load %arg8[%get3A_188, %get3A_189] {strides = array<i32>} : memref<25x128xf32, #tpu.memory_space<vmem>>, vector<16xf32>,
        %get3A_191 = arith.index_cast %scan3A_144 : i32 to index
        %get3A_192 = arith.constant 48 : index
        %get3A_193 = tpu.vector_load %arg9[%get3A_191, %get3A_192] {strides = array<i32>} : memref<25x128xf32, #tpu.memory_space<vmem>>, vector<16xf32>,
        %sub3A_194 = arith.subf %get3A_190, %get3A_193 : vector<16xf32>
        %sub3A_195 = arith.constant 1.000000e+00 : f32
        %sub3A_196 = vector.broadcast %sub3A_195 : f32 to vector<16xf32>
        %sub3A_197 = arith.subf %sub3A_196, %sub3A_194 : vector<16xf32>
        %max3A_198 = arith.constant 0.000000e+00 : f32
        %max3A_199 = vector.broadcast %max3A_198 : f32 to vector<16xf32>
        %max3A_200 = arith.maximumf %sub3A_197, %max3A_199 : vector<16xf32>
        %add3A_201 = arith.addf %add3A_187, %max3A_200 : vector<16xf32>
        %get3A_202 = arith.index_cast %scan3A_144 : i32 to index
        %get3A_203 = arith.constant 64 : index
        %get3A_204 = tpu.vector_load %arg8[%get3A_202, %get3A_203] {strides = array<i32>} : memref<25x128xf32, #tpu.memory_space<vmem>>, vector<16xf32>,
        %get3A_205 = arith.index_cast %scan3A_144 : i32 to index
        %get3A_206 = arith.constant 64 : index
        %get3A_207 = tpu.vector_load %arg9[%get3A_205, %get3A_206] {strides = array<i32>} : memref<25x128xf32, #tpu.memory_space<vmem>>, vector<16xf32>,
        %sub3A_208 = arith.subf %get3A_204, %get3A_207 : vector<16xf32>
        %sub3A_209 = arith.constant 1.000000e+00 : f32
        %sub3A_210 = vector.broadcast %sub3A_209 : f32 to vector<16xf32>
        %sub3A_211 = arith.subf %sub3A_210, %sub3A_208 : vector<16xf32>
        %max3A_212 = arith.constant 0.000000e+00 : f32
        %max3A_213 = vector.broadcast %max3A_212 : f32 to vector<16xf32>
        %max3A_214 = arith.maximumf %sub3A_211, %max3A_213 : vector<16xf32>
        %add3A_215 = arith.addf %add3A_201, %max3A_214 : vector<16xf32>
        %get3A_216 = arith.index_cast %scan3A_144 : i32 to index
        %get3A_217 = arith.constant 80 : index
        %get3A_218 = tpu.vector_load %arg8[%get3A_216, %get3A_217] {strides = array<i32>} : memref<25x128xf32, #tpu.memory_space<vmem>>, vector<16xf32>,
        %get3A_219 = arith.index_cast %scan3A_144 : i32 to index
        %get3A_220 = arith.constant 80 : index
        %get3A_221 = tpu.vector_load %arg9[%get3A_219, %get3A_220] {strides = array<i32>} : memref<25x128xf32, #tpu.memory_space<vmem>>, vector<16xf32>,
        %sub3A_222 = arith.subf %get3A_218, %get3A_221 : vector<16xf32>
        %sub3A_223 = arith.constant 1.000000e+00 : f32
        %sub3A_224 = vector.broadcast %sub3A_223 : f32 to vector<16xf32>
        %sub3A_225 = arith.subf %sub3A_224, %sub3A_222 : vector<16xf32>
        %max3A_226 = arith.constant 0.000000e+00 : f32
        %max3A_227 = vector.broadcast %max3A_226 : f32 to vector<16xf32>
        %max3A_228 = arith.maximumf %sub3A_225, %max3A_227 : vector<16xf32>
        %add3A_229 = arith.addf %add3A_215, %max3A_228 : vector<16xf32>
        %get3A_230 = arith.index_cast %scan3A_144 : i32 to index
        %get3A_231 = arith.constant 96 : index
        %get3A_232 = tpu.vector_load %arg8[%get3A_230, %get3A_231] {strides = array<i32>} : memref<25x128xf32, #tpu.memory_space<vmem>>, vector<16xf32>,
        %get3A_233 = arith.index_cast %scan3A_144 : i32 to index
        %get3A_234 = arith.constant 96 : index
        %get3A_235 = tpu.vector_load %arg9[%get3A_233, %get3A_234] {strides = array<i32>} : memref<25x128xf32, #tpu.memory_space<vmem>>, vector<16xf32>,
        %sub3A_236 = arith.subf %get3A_232, %get3A_235 : vector<16xf32>
        %sub3A_237 = arith.constant 1.000000e+00 : f32
        %sub3A_238 = vector.broadcast %sub3A_237 : f32 to vector<16xf32>
        %sub3A_239 = arith.subf %sub3A_238, %sub3A_236 : vector<16xf32>
        %max3A_240 = arith.constant 0.000000e+00 : f32
        %max3A_241 = vector.broadcast %max3A_240 : f32 to vector<16xf32>
        %max3A_242 = arith.maximumf %sub3A_239, %max3A_241 : vector<16xf32>
        %add3A_243 = arith.addf %add3A_229, %max3A_242 : vector<16xf32>
        %get3A_244 = arith.index_cast %scan3A_144 : i32 to index
        %get3A_245 = arith.constant 112 : index
        %get3A_246 = tpu.vector_load %arg8[%get3A_244, %get3A_245] {strides = array<i32>} : memref<25x128xf32, #tpu.memory_space<vmem>>, vector<16xf32>,
        %get3A_247 = arith.index_cast %scan3A_144 : i32 to index
        %get3A_248 = arith.constant 112 : index
        %get3A_249 = tpu.vector_load %arg9[%get3A_247, %get3A_248] {strides = array<i32>} : memref<25x128xf32, #tpu.memory_space<vmem>>, vector<16xf32>,
        %sub3A_250 = arith.subf %get3A_246, %get3A_249 : vector<16xf32>
        %sub3A_251 = arith.constant 1.000000e+00 : f32
        %sub3A_252 = vector.broadcast %sub3A_251 : f32 to vector<16xf32>
        %sub3A_253 = arith.subf %sub3A_252, %sub3A_250 : vector<16xf32>
        %max3A_254 = arith.constant 0.000000e+00 : f32
        %max3A_255 = vector.broadcast %max3A_254 : f32 to vector<16xf32>
        %max3A_256 = arith.maximumf %sub3A_253, %max3A_255 : vector<16xf32>
        %add3A_257 = arith.addf %add3A_243, %max3A_256 : vector<16xf32>
        scf.yield %add3A_257 : vector<16xf32>
      }
      %scan3A_85 = arith.constant 25 : i32
      %jit3A_86 = arith.constant 0.000000e+00 : f32
      %broadcast_in_dim3A_87 = vector.broadcast %jit3A_86 : f32 to vector<16xf32>
      %select_n3A_88 = arith.select %lt3A_45, %scan3A_84, %broadcast_in_dim3A_87 : vector<16xf32>
      %add3A_89 = arith.addf %scan3A_36, %select_n3A_88 : vector<16xf32>
      %mul3A_90 = arith.constant 2 : i32
      %mul3A_91 = arith.muli %scan3A_35, %mul3A_90 : i32
      %add3A_92 = arith.constant 1 : i32
      %add3A_93 = arith.addi %mul3A_91, %add3A_92 : i32
      %mul3A_94 = arith.constant 32 : i32
      %mul3A_95 = arith.muli %add3A_93, %mul3A_94 : i32
      %add3A_96 = arith.addi %mul3A_95, %add3A : i32
      %lt3A_97 = arith.constant 625 : i32
      %lt3A_98 = arith.cmpi slt, %add3A_96, %lt3A_97 : i32
      %mul3A_99 = arith.constant 32 : i32
      %mul3A_100 = arith.muli %add3A_93, %mul3A_99 : i32
      %add3A_101 = arith.addi %mul3A_100, %add3A : i32
      %lt3A_102 = arith.constant 625 : i32
      %lt3A_103 = arith.cmpi slt, %add3A_101, %lt3A_102 : i32
      %jit3A_104 = arith.constant 624 : i32
      %select_n3A_105 = arith.select %lt3A_103, %add3A_101, %jit3A_104 : i32
      %mul3A_106 = arith.constant 25 : i32
      %mul3A_107 = arith.muli %select_n3A_105, %mul3A_106 : i32
      %dma_wait3A_108 = arith.constant 0 : i32
      %dma_wait3A_109 = arith.constant 0 : i32
      %dma_wait3A_110 = tpu.memref_slice %arg3[%mul3A_107, %dma_wait3A_108, %dma_wait3A_109] : memref<15625x2x128xi32, #tpu.memory_space<hbm>> -> memref<25x1x128xi32, #tpu.memory_space<hbm>>
      %dma_wait3A_111 = tpu.memref_squeeze %dma_wait3A_110 : memref<25x1x128xi32, #tpu.memory_space<hbm>> -> memref<25x128xi32, #tpu.memory_space<hbm>>
      %dma_wait3A_112 = arith.constant 0 : i32
      %dma_wait3A_113 = tpu.memref_slice %arg3[%mul3A_107, %dma_wait3A_108, %dma_wait3A_112] : memref<15625x2x128xi32, #tpu.memory_space<hbm>> -> memref<25x1x128xi32, #tpu.memory_space<hbm>>
      %dma_wait3A_114 = tpu.memref_squeeze %dma_wait3A_113 : memref<25x1x128xi32, #tpu.memory_space<hbm>> -> memref<25x128xi32, #tpu.memory_space<hbm>>
      tpu.wait_dma2 semaphore(%arg17 : memref<!tpu.dma_semaphore, #tpu.memory_space<semaphore_mem>>) src(%dma_wait3A_114 : memref<25x128xi32, #tpu.memory_space<hbm>>) dst(%arg10 : memref<25x128xi32, #tpu.memory_space<vmem>>)
      %dma_wait3A_115 = arith.constant 1 : i32
      %dma_wait3A_116 = arith.constant 0 : i32
      %dma_wait3A_117 = tpu.memref_slice %arg3[%mul3A_107, %dma_wait3A_115, %dma_wait3A_116] : memref<15625x2x128xi32, #tpu.memory_space<hbm>> -> memref<25x1x128xi32, #tpu.memory_space<hbm>>
      %dma_wait3A_118 = tpu.memref_squeeze %dma_wait3A_117 : memref<25x1x128xi32, #tpu.memory_space<hbm>> -> memref<25x128xi32, #tpu.memory_space<hbm>>
      %dma_wait3A_119 = arith.constant 0 : i32
      %dma_wait3A_120 = tpu.memref_slice %arg3[%mul3A_107, %dma_wait3A_115, %dma_wait3A_119] : memref<15625x2x128xi32, #tpu.memory_space<hbm>> -> memref<25x1x128xi32, #tpu.memory_space<hbm>>
      %dma_wait3A_121 = tpu.memref_squeeze %dma_wait3A_120 : memref<25x1x128xi32, #tpu.memory_space<hbm>> -> memref<25x128xi32, #tpu.memory_space<hbm>>
      tpu.wait_dma2 semaphore(%arg17 : memref<!tpu.dma_semaphore, #tpu.memory_space<semaphore_mem>>) src(%dma_wait3A_121 : memref<25x128xi32, #tpu.memory_space<hbm>>) dst(%arg11 : memref<25x128xi32, #tpu.memory_space<vmem>>)
      %convert_element_type3A_122 = arith.extui %lt3A_98 : i1 to i32
      %cond3A_123 = arith.constant 0 : i32
      %cond3A_124 = arith.cmpi ne, %convert_element_type3A_122, %cond3A_123 : i32
      scf.if %cond3A_124 {
        %scan3A_144 = arith.constant 0 : i32
        %scan3A_145 = arith.constant 0 : i32
        %scan3A_146 = arith.constant 25 : i32
        %scan3A_147 = arith.addi %scan3A_145, %scan3A_146 : i32
        %scan3A_148 = arith.constant 1 : i32
        %scan3A_149 = scf.for %scan3A_151 = %scan3A_145 to %scan3A_147 step %scan3A_148 iter_args(%scan3A_152 = %scan3A_144) -> (i32)  : i32 {
          %dma_start3A_153 = arith.constant 0 : i32
          %dma_start3A_154 = tpu.memref_slice %arg12[%scan3A_151, %dma_start3A_153] : memref<25x128xf32, #tpu.memory_space<vmem>> -> memref<1x128xf32, #tpu.memory_space<vmem>>
          %dma_start3A_155 = tpu.memref_squeeze %dma_start3A_154 : memref<1x128xf32, #tpu.memory_space<vmem>> -> memref<128xf32, #tpu.memory_space<vmem>>
          %dma_start3A_156 = arith.constant 0 : i32
          %dma_start3A_157 = tpu.memref_slice %arg10[%scan3A_151, %dma_start3A_156] : memref<25x128xi32, #tpu.memory_space<vmem>> -> memref<1x128xi32, #tpu.memory_space<vmem>>
          %dma_start3A_158 = tpu.memref_squeeze %dma_start3A_157 : memref<1x128xi32, #tpu.memory_space<vmem>> -> memref<128xi32, #tpu.memory_space<vmem>>
          %dma_start3A_159 = arith.constant 0 : i32
          %dma_start3A_160 = tpu.memref_slice %arg5[%dma_start3A_159] : memref<1000000xf32, #tpu.memory_space<vmem_shared>> -> memref<1000000xf32, #tpu.memory_space<vmem_shared>>
          tpu.enqueue_indirect_dma source(%dma_start3A_160 : memref<1000000xf32, #tpu.memory_space<vmem_shared>>) target(%dma_start3A_155 : memref<128xf32, #tpu.memory_space<vmem>>) offsets(%dma_start3A_158 : memref<128xi32, #tpu.memory_space<vmem>>) semaphore(%arg15 : memref<!tpu.dma_semaphore, #tpu.memory_space<semaphore_mem>>)
          %dma_start3A_161 = arith.constant 0 : i32
          %dma_start3A_162 = tpu.memref_slice %arg13[%scan3A_151, %dma_start3A_161] : memref<25x128xf32, #tpu.memory_space<vmem>> -> memref<1x128xf32, #tpu.memory_space<vmem>>
          %dma_start3A_163 = tpu.memref_squeeze %dma_start3A_162 : memref<1x128xf32, #tpu.memory_space<vmem>> -> memref<128xf32, #tpu.memory_space<vmem>>
          %dma_start3A_164 = arith.constant 0 : i32
          %dma_start3A_165 = tpu.memref_slice %arg11[%scan3A_151, %dma_start3A_164] : memref<25x128xi32, #tpu.memory_space<vmem>> -> memref<1x128xi32, #tpu.memory_space<vmem>>
          %dma_start3A_166 = tpu.memref_squeeze %dma_start3A_165 : memref<1x128xi32, #tpu.memory_space<vmem>> -> memref<128xi32, #tpu.memory_space<vmem>>
          %dma_start3A_167 = arith.constant 0 : i32
          %dma_start3A_168 = tpu.memref_slice %arg5[%dma_start3A_167] : memref<1000000xf32, #tpu.memory_space<vmem_shared>> -> memref<1000000xf32, #tpu.memory_space<vmem_shared>>
          tpu.enqueue_indirect_dma source(%dma_start3A_168 : memref<1000000xf32, #tpu.memory_space<vmem_shared>>) target(%dma_start3A_163 : memref<128xf32, #tpu.memory_space<vmem>>) offsets(%dma_start3A_166 : memref<128xi32, #tpu.memory_space<vmem>>) semaphore(%arg15 : memref<!tpu.dma_semaphore, #tpu.memory_space<semaphore_mem>>)
          %scan3A_169 = arith.constant 0 : i32
          scf.yield %scan3A_169 : i32
        }
        %scan3A_150 = arith.constant 25 : i32
      } else {
      }
      %add3A_125 = arith.constant 1 : i32
      %add3A_126 = arith.addi %add3A_93, %add3A_125 : i32
      %lt3A_127 = arith.constant 20 : i32
      %lt3A_128 = arith.cmpi slt, %add3A_126, %lt3A_127 : i32
      %convert_element_type3A_129 = arith.extui %lt3A_128 : i1 to i32
      %cond3A_130 = arith.constant 0 : i32
      %cond3A_131 = arith.cmpi ne, %convert_element_type3A_129, %cond3A_130 : i32
      scf.if %cond3A_131 {
        %add3A_144 = arith.constant 1 : i32
        %add3A_145 = arith.addi %add3A_93, %add3A_144 : i32
        %mul3A_146 = arith.constant 32 : i32
        %mul3A_147 = arith.muli %add3A_145, %mul3A_146 : i32
        %add3A_148 = arith.addi %mul3A_147, %add3A : i32
        %lt3A_149 = arith.constant 625 : i32
        %lt3A_150 = arith.cmpi slt, %add3A_148, %lt3A_149 : i32
        %jit3A_151 = arith.constant 624 : i32
        %select_n3A_152 = arith.select %lt3A_150, %add3A_148, %jit3A_151 : i32
        %mul3A_153 = arith.constant 25 : i32
        %mul3A_154 = arith.muli %select_n3A_152, %mul3A_153 : i32
        %dma_start3A_155 = arith.constant 0 : i32
        %dma_start3A_156 = arith.constant 0 : i32
        %dma_start3A_157 = tpu.memref_slice %arg3[%mul3A_154, %dma_start3A_155, %dma_start3A_156] : memref<15625x2x128xi32, #tpu.memory_space<hbm>> -> memref<25x1x128xi32, #tpu.memory_space<hbm>>
        %dma_start3A_158 = tpu.memref_squeeze %dma_start3A_157 : memref<25x1x128xi32, #tpu.memory_space<hbm>> -> memref<25x128xi32, #tpu.memory_space<hbm>>
        %dma_start3A_159 = arith.constant 0 : i32
        %dma_start3A_160 = tpu.memref_slice %arg3[%mul3A_154, %dma_start3A_155, %dma_start3A_159] : memref<15625x2x128xi32, #tpu.memory_space<hbm>> -> memref<25x1x128xi32, #tpu.memory_space<hbm>>
        %dma_start3A_161 = tpu.memref_squeeze %dma_start3A_160 : memref<25x1x128xi32, #tpu.memory_space<hbm>> -> memref<25x128xi32, #tpu.memory_space<hbm>>
        tpu.enqueue_dma source(%dma_start3A_161 : memref<25x128xi32, #tpu.memory_space<hbm>>) target(%arg6 : memref<25x128xi32, #tpu.memory_space<vmem>>) target_semaphore(%arg16 : memref<!tpu.dma_semaphore, #tpu.memory_space<semaphore_mem>>)
        %dma_start3A_162 = arith.constant 1 : i32
        %dma_start3A_163 = arith.constant 0 : i32
        %dma_start3A_164 = tpu.memref_slice %arg3[%mul3A_154, %dma_start3A_162, %dma_start3A_163] : memref<15625x2x128xi32, #tpu.memory_space<hbm>> -> memref<25x1x128xi32, #tpu.memory_space<hbm>>
        %dma_start3A_165 = tpu.memref_squeeze %dma_start3A_164 : memref<25x1x128xi32, #tpu.memory_space<hbm>> -> memref<25x128xi32, #tpu.memory_space<hbm>>
        %dma_start3A_166 = arith.constant 0 : i32
        %dma_start3A_167 = tpu.memref_slice %arg3[%mul3A_154, %dma_start3A_162, %dma_start3A_166] : memref<15625x2x128xi32, #tpu.memory_space<hbm>> -> memref<25x1x128xi32, #tpu.memory_space<hbm>>
        %dma_start3A_168 = tpu.memref_squeeze %dma_start3A_167 : memref<25x1x128xi32, #tpu.memory_space<hbm>> -> memref<25x128xi32, #tpu.memory_space<hbm>>
        tpu.enqueue_dma source(%dma_start3A_168 : memref<25x128xi32, #tpu.memory_space<hbm>>) target(%arg7 : memref<25x128xi32, #tpu.memory_space<vmem>>) target_semaphore(%arg16 : memref<!tpu.dma_semaphore, #tpu.memory_space<semaphore_mem>>)
      } else {
      }
      %broadcast_in_dim3A_132 = arith.constant 0.000000e+00 : f32
      %broadcast_in_dim3A_133 = vector.broadcast %broadcast_in_dim3A_132 : f32 to vector<16xf32>
      %scan3A_134 = arith.constant 0 : i32
      %scan3A_135 = arith.constant 25 : i32
      %scan3A_136 = arith.addi %scan3A_134, %scan3A_135 : i32
      %scan3A_137 = arith.constant 1 : i32
      %scan3A_138 = scf.for %scan3A_144 = %scan3A_134 to %scan3A_136 step %scan3A_137 iter_args(%scan3A_145 = %broadcast_in_dim3A_133) -> (vector<16xf32>)  : i32 {
        %convert_element_type3A_146 = arith.extui %lt3A_98 : i1 to i32
        %cond3A_147 = arith.constant 0 : i32
        %cond3A_148 = arith.cmpi ne, %convert_element_type3A_146, %cond3A_147 : i32
        scf.if %cond3A_148 {
          %dma_wait3A_258 = arith.constant 0 : i32
          %dma_wait3A_259 = tpu.memref_slice %arg12[%scan3A_144, %dma_wait3A_258] : memref<25x128xf32, #tpu.memory_space<vmem>> -> memref<1x128xf32, #tpu.memory_space<vmem>>
          %dma_wait3A_260 = tpu.memref_squeeze %dma_wait3A_259 : memref<1x128xf32, #tpu.memory_space<vmem>> -> memref<128xf32, #tpu.memory_space<vmem>>
          %dma_wait3A_261 = arith.constant 0 : i32
          %dma_wait3A_262 = tpu.memref_slice %arg10[%scan3A_144, %dma_wait3A_261] : memref<25x128xi32, #tpu.memory_space<vmem>> -> memref<1x128xi32, #tpu.memory_space<vmem>>
          %dma_wait3A_263 = tpu.memref_squeeze %dma_wait3A_262 : memref<1x128xi32, #tpu.memory_space<vmem>> -> memref<128xi32, #tpu.memory_space<vmem>>
          %dma_wait3A_264 = arith.constant 0 : i32
          %dma_wait3A_265 = tpu.memref_slice %arg5[%dma_wait3A_264] : memref<1000000xf32, #tpu.memory_space<vmem_shared>> -> memref<1000000xf32, #tpu.memory_space<vmem_shared>>
          tpu.wait_indirect_dma semaphore(%arg15 : memref<!tpu.dma_semaphore, #tpu.memory_space<semaphore_mem>>) src(%dma_wait3A_265 : memref<1000000xf32, #tpu.memory_space<vmem_shared>>) dst(%dma_wait3A_260 : memref<128xf32, #tpu.memory_space<vmem>>)
          %dma_wait3A_266 = arith.constant 0 : i32
          %dma_wait3A_267 = tpu.memref_slice %arg13[%scan3A_144, %dma_wait3A_266] : memref<25x128xf32, #tpu.memory_space<vmem>> -> memref<1x128xf32, #tpu.memory_space<vmem>>
          %dma_wait3A_268 = tpu.memref_squeeze %dma_wait3A_267 : memref<1x128xf32, #tpu.memory_space<vmem>> -> memref<128xf32, #tpu.memory_space<vmem>>
          %dma_wait3A_269 = arith.constant 0 : i32
          %dma_wait3A_270 = tpu.memref_slice %arg11[%scan3A_144, %dma_wait3A_269] : memref<25x128xi32, #tpu.memory_space<vmem>> -> memref<1x128xi32, #tpu.memory_space<vmem>>
          %dma_wait3A_271 = tpu.memref_squeeze %dma_wait3A_270 : memref<1x128xi32, #tpu.memory_space<vmem>> -> memref<128xi32, #tpu.memory_space<vmem>>
          %dma_wait3A_272 = arith.constant 0 : i32
          %dma_wait3A_273 = tpu.memref_slice %arg5[%dma_wait3A_272] : memref<1000000xf32, #tpu.memory_space<vmem_shared>> -> memref<1000000xf32, #tpu.memory_space<vmem_shared>>
          tpu.wait_indirect_dma semaphore(%arg15 : memref<!tpu.dma_semaphore, #tpu.memory_space<semaphore_mem>>) src(%dma_wait3A_273 : memref<1000000xf32, #tpu.memory_space<vmem_shared>>) dst(%dma_wait3A_268 : memref<128xf32, #tpu.memory_space<vmem>>)
        } else {
        }
        %get3A = arith.index_cast %scan3A_144 : i32 to index
        %get3A_149 = arith.constant 0 : index
        %get3A_150 = tpu.vector_load %arg12[%get3A, %get3A_149] {strides = array<i32>} : memref<25x128xf32, #tpu.memory_space<vmem>>, vector<16xf32>,
        %get3A_151 = arith.index_cast %scan3A_144 : i32 to index
        %get3A_152 = arith.constant 0 : index
        %get3A_153 = tpu.vector_load %arg13[%get3A_151, %get3A_152] {strides = array<i32>} : memref<25x128xf32, #tpu.memory_space<vmem>>, vector<16xf32>,
        %sub3A = arith.subf %get3A_150, %get3A_153 : vector<16xf32>
        %sub3A_154 = arith.constant 1.000000e+00 : f32
        %sub3A_155 = vector.broadcast %sub3A_154 : f32 to vector<16xf32>
        %sub3A_156 = arith.subf %sub3A_155, %sub3A : vector<16xf32>
        %max3A = arith.constant 0.000000e+00 : f32
        %max3A_157 = vector.broadcast %max3A : f32 to vector<16xf32>
        %max3A_158 = arith.maximumf %sub3A_156, %max3A_157 : vector<16xf32>
        %add3A_159 = arith.addf %scan3A_145, %max3A_158 : vector<16xf32>
        %get3A_160 = arith.index_cast %scan3A_144 : i32 to index
        %get3A_161 = arith.constant 16 : index
        %get3A_162 = tpu.vector_load %arg12[%get3A_160, %get3A_161] {strides = array<i32>} : memref<25x128xf32, #tpu.memory_space<vmem>>, vector<16xf32>,
        %get3A_163 = arith.index_cast %scan3A_144 : i32 to index
        %get3A_164 = arith.constant 16 : index
        %get3A_165 = tpu.vector_load %arg13[%get3A_163, %get3A_164] {strides = array<i32>} : memref<25x128xf32, #tpu.memory_space<vmem>>, vector<16xf32>,
        %sub3A_166 = arith.subf %get3A_162, %get3A_165 : vector<16xf32>
        %sub3A_167 = arith.constant 1.000000e+00 : f32
        %sub3A_168 = vector.broadcast %sub3A_167 : f32 to vector<16xf32>
        %sub3A_169 = arith.subf %sub3A_168, %sub3A_166 : vector<16xf32>
        %max3A_170 = arith.constant 0.000000e+00 : f32
        %max3A_171 = vector.broadcast %max3A_170 : f32 to vector<16xf32>
        %max3A_172 = arith.maximumf %sub3A_169, %max3A_171 : vector<16xf32>
        %add3A_173 = arith.addf %add3A_159, %max3A_172 : vector<16xf32>
        %get3A_174 = arith.index_cast %scan3A_144 : i32 to index
        %get3A_175 = arith.constant 32 : index
        %get3A_176 = tpu.vector_load %arg12[%get3A_174, %get3A_175] {strides = array<i32>} : memref<25x128xf32, #tpu.memory_space<vmem>>, vector<16xf32>,
        %get3A_177 = arith.index_cast %scan3A_144 : i32 to index
        %get3A_178 = arith.constant 32 : index
        %get3A_179 = tpu.vector_load %arg13[%get3A_177, %get3A_178] {strides = array<i32>} : memref<25x128xf32, #tpu.memory_space<vmem>>, vector<16xf32>,
        %sub3A_180 = arith.subf %get3A_176, %get3A_179 : vector<16xf32>
        %sub3A_181 = arith.constant 1.000000e+00 : f32
        %sub3A_182 = vector.broadcast %sub3A_181 : f32 to vector<16xf32>
        %sub3A_183 = arith.subf %sub3A_182, %sub3A_180 : vector<16xf32>
        %max3A_184 = arith.constant 0.000000e+00 : f32
        %max3A_185 = vector.broadcast %max3A_184 : f32 to vector<16xf32>
        %max3A_186 = arith.maximumf %sub3A_183, %max3A_185 : vector<16xf32>
        %add3A_187 = arith.addf %add3A_173, %max3A_186 : vector<16xf32>
        %get3A_188 = arith.index_cast %scan3A_144 : i32 to index
        %get3A_189 = arith.constant 48 : index
        %get3A_190 = tpu.vector_load %arg12[%get3A_188, %get3A_189] {strides = array<i32>} : memref<25x128xf32, #tpu.memory_space<vmem>>, vector<16xf32>,
        %get3A_191 = arith.index_cast %scan3A_144 : i32 to index
        %get3A_192 = arith.constant 48 : index
        %get3A_193 = tpu.vector_load %arg13[%get3A_191, %get3A_192] {strides = array<i32>} : memref<25x128xf32, #tpu.memory_space<vmem>>, vector<16xf32>,
        %sub3A_194 = arith.subf %get3A_190, %get3A_193 : vector<16xf32>
        %sub3A_195 = arith.constant 1.000000e+00 : f32
        %sub3A_196 = vector.broadcast %sub3A_195 : f32 to vector<16xf32>
        %sub3A_197 = arith.subf %sub3A_196, %sub3A_194 : vector<16xf32>
        %max3A_198 = arith.constant 0.000000e+00 : f32
        %max3A_199 = vector.broadcast %max3A_198 : f32 to vector<16xf32>
        %max3A_200 = arith.maximumf %sub3A_197, %max3A_199 : vector<16xf32>
        %add3A_201 = arith.addf %add3A_187, %max3A_200 : vector<16xf32>
        %get3A_202 = arith.index_cast %scan3A_144 : i32 to index
        %get3A_203 = arith.constant 64 : index
        %get3A_204 = tpu.vector_load %arg12[%get3A_202, %get3A_203] {strides = array<i32>} : memref<25x128xf32, #tpu.memory_space<vmem>>, vector<16xf32>,
        %get3A_205 = arith.index_cast %scan3A_144 : i32 to index
        %get3A_206 = arith.constant 64 : index
        %get3A_207 = tpu.vector_load %arg13[%get3A_205, %get3A_206] {strides = array<i32>} : memref<25x128xf32, #tpu.memory_space<vmem>>, vector<16xf32>,
        %sub3A_208 = arith.subf %get3A_204, %get3A_207 : vector<16xf32>
        %sub3A_209 = arith.constant 1.000000e+00 : f32
        %sub3A_210 = vector.broadcast %sub3A_209 : f32 to vector<16xf32>
        %sub3A_211 = arith.subf %sub3A_210, %sub3A_208 : vector<16xf32>
        %max3A_212 = arith.constant 0.000000e+00 : f32
        %max3A_213 = vector.broadcast %max3A_212 : f32 to vector<16xf32>
        %max3A_214 = arith.maximumf %sub3A_211, %max3A_213 : vector<16xf32>
        %add3A_215 = arith.addf %add3A_201, %max3A_214 : vector<16xf32>
        %get3A_216 = arith.index_cast %scan3A_144 : i32 to index
        %get3A_217 = arith.constant 80 : index
        %get3A_218 = tpu.vector_load %arg12[%get3A_216, %get3A_217] {strides = array<i32>} : memref<25x128xf32, #tpu.memory_space<vmem>>, vector<16xf32>,
        %get3A_219 = arith.index_cast %scan3A_144 : i32 to index
        %get3A_220 = arith.constant 80 : index
        %get3A_221 = tpu.vector_load %arg13[%get3A_219, %get3A_220] {strides = array<i32>} : memref<25x128xf32, #tpu.memory_space<vmem>>, vector<16xf32>,
        %sub3A_222 = arith.subf %get3A_218, %get3A_221 : vector<16xf32>
        %sub3A_223 = arith.constant 1.000000e+00 : f32
        %sub3A_224 = vector.broadcast %sub3A_223 : f32 to vector<16xf32>
        %sub3A_225 = arith.subf %sub3A_224, %sub3A_222 : vector<16xf32>
        %max3A_226 = arith.constant 0.000000e+00 : f32
        %max3A_227 = vector.broadcast %max3A_226 : f32 to vector<16xf32>
        %max3A_228 = arith.maximumf %sub3A_225, %max3A_227 : vector<16xf32>
        %add3A_229 = arith.addf %add3A_215, %max3A_228 : vector<16xf32>
        %get3A_230 = arith.index_cast %scan3A_144 : i32 to index
        %get3A_231 = arith.constant 96 : index
        %get3A_232 = tpu.vector_load %arg12[%get3A_230, %get3A_231] {strides = array<i32>} : memref<25x128xf32, #tpu.memory_space<vmem>>, vector<16xf32>,
        %get3A_233 = arith.index_cast %scan3A_144 : i32 to index
        %get3A_234 = arith.constant 96 : index
        %get3A_235 = tpu.vector_load %arg13[%get3A_233, %get3A_234] {strides = array<i32>} : memref<25x128xf32, #tpu.memory_space<vmem>>, vector<16xf32>,
        %sub3A_236 = arith.subf %get3A_232, %get3A_235 : vector<16xf32>
        %sub3A_237 = arith.constant 1.000000e+00 : f32
        %sub3A_238 = vector.broadcast %sub3A_237 : f32 to vector<16xf32>
        %sub3A_239 = arith.subf %sub3A_238, %sub3A_236 : vector<16xf32>
        %max3A_240 = arith.constant 0.000000e+00 : f32
        %max3A_241 = vector.broadcast %max3A_240 : f32 to vector<16xf32>
        %max3A_242 = arith.maximumf %sub3A_239, %max3A_241 : vector<16xf32>
        %add3A_243 = arith.addf %add3A_229, %max3A_242 : vector<16xf32>
        %get3A_244 = arith.index_cast %scan3A_144 : i32 to index
        %get3A_245 = arith.constant 112 : index
        %get3A_246 = tpu.vector_load %arg12[%get3A_244, %get3A_245] {strides = array<i32>} : memref<25x128xf32, #tpu.memory_space<vmem>>, vector<16xf32>,
        %get3A_247 = arith.index_cast %scan3A_144 : i32 to index
        %get3A_248 = arith.constant 112 : index
        %get3A_249 = tpu.vector_load %arg13[%get3A_247, %get3A_248] {strides = array<i32>} : memref<25x128xf32, #tpu.memory_space<vmem>>, vector<16xf32>,
        %sub3A_250 = arith.subf %get3A_246, %get3A_249 : vector<16xf32>
        %sub3A_251 = arith.constant 1.000000e+00 : f32
        %sub3A_252 = vector.broadcast %sub3A_251 : f32 to vector<16xf32>
        %sub3A_253 = arith.subf %sub3A_252, %sub3A_250 : vector<16xf32>
        %max3A_254 = arith.constant 0.000000e+00 : f32
        %max3A_255 = vector.broadcast %max3A_254 : f32 to vector<16xf32>
        %max3A_256 = arith.maximumf %sub3A_253, %max3A_255 : vector<16xf32>
        %add3A_257 = arith.addf %add3A_243, %max3A_256 : vector<16xf32>
        scf.yield %add3A_257 : vector<16xf32>
      }
      %scan3A_139 = arith.constant 25 : i32
      %jit3A_140 = arith.constant 0.000000e+00 : f32
      %broadcast_in_dim3A_141 = vector.broadcast %jit3A_140 : f32 to vector<16xf32>
      %select_n3A_142 = arith.select %lt3A_98, %scan3A_138, %broadcast_in_dim3A_141 : vector<16xf32>
      %add3A_143 = arith.addf %add3A_89, %select_n3A_142 : vector<16xf32>
      scf.yield %add3A_143 : vector<16xf32>
    }
    %scan3A_33 = arith.constant 10 : i32
    %swap3A = arith.constant 0 : index
    %swap3A_34 = tpu.vector_load %arg14[%swap3A] {strides = array<i32>} : memref<16xf32, #tpu.memory_space<vmem>>, vector<16xf32>,
    tpu.vector_store %arg14[%swap3A], %scan3A_32 {strides = array<i32>} : memref<16xf32, #tpu.memory_space<vmem>>, vector<16xf32>,
    "tpu.region"() ({
      %run_scoped3A = tpu.sem_alloc : memref<!tpu.dma_semaphore, #tpu.memory_space<semaphore_mem>>
      %dma_start3A_35 = arith.constant 0 : i32
      %dma_start3A_36 = tpu.memref_slice %arg4[%add3A, %dma_start3A_35] : memref<32x16xf32, #tpu.memory_space<hbm>> -> memref<1x16xf32, #tpu.memory_space<hbm>>
      %dma_start3A_37 = tpu.memref_squeeze %dma_start3A_36 : memref<1x16xf32, #tpu.memory_space<hbm>> -> memref<16xf32, #tpu.memory_space<hbm>>
      %dma_start3A_38 = arith.constant 0 : i32
      %dma_start3A_39 = tpu.memref_slice %arg4[%add3A, %dma_start3A_38] : memref<32x16xf32, #tpu.memory_space<hbm>> -> memref<1x16xf32, #tpu.memory_space<hbm>>
      %dma_start3A_40 = tpu.memref_squeeze %dma_start3A_39 : memref<1x16xf32, #tpu.memory_space<hbm>> -> memref<16xf32, #tpu.memory_space<hbm>>
      tpu.enqueue_dma source(%arg14 : memref<16xf32, #tpu.memory_space<vmem>>) target(%dma_start3A_40 : memref<16xf32, #tpu.memory_space<hbm>>) target_semaphore(%run_scoped3A : memref<!tpu.dma_semaphore, #tpu.memory_space<semaphore_mem>>)
      %dma_wait3A = arith.constant 0 : i32
      %dma_wait3A_41 = tpu.memref_slice %arg4[%add3A, %dma_wait3A] : memref<32x16xf32, #tpu.memory_space<hbm>> -> memref<1x16xf32, #tpu.memory_space<hbm>>
      %dma_wait3A_42 = tpu.memref_squeeze %dma_wait3A_41 : memref<1x16xf32, #tpu.memory_space<hbm>> -> memref<16xf32, #tpu.memory_space<hbm>>
      %dma_wait3A_43 = arith.constant 0 : i32
      %dma_wait3A_44 = tpu.memref_slice %arg4[%add3A, %dma_wait3A_43] : memref<32x16xf32, #tpu.memory_space<hbm>> -> memref<1x16xf32, #tpu.memory_space<hbm>>
      %dma_wait3A_45 = tpu.memref_squeeze %dma_wait3A_44 : memref<1x16xf32, #tpu.memory_space<hbm>> -> memref<16xf32, #tpu.memory_space<hbm>>
      tpu.wait_dma2 semaphore(%run_scoped3A : memref<!tpu.dma_semaphore, #tpu.memory_space<semaphore_mem>>) src(%arg14 : memref<16xf32, #tpu.memory_space<vmem>>) dst(%dma_wait3A_45 : memref<16xf32, #tpu.memory_space<hbm>>)
      tpu.yield
    }) : () -> ()
    return
  }
}

</mosaic_0001>

<sc_bundles>
// kernel: kernel.3.cloned.1.call-start
scs
__scs_entry_jumppad:
0x0: {  	(pc) =	sbr.rel $0x88, $3  }
0x1: {  	(tag) =	ssettag $0x0;
	lr =	simm.s32 $0x1  }
0x2: {  	[smem:$0x3F9F] =	sst lr;
	_ =	strace $0xD0000000  }
0x3: {  	_ = 	snop  }
0x4: {  	_ = 	snop  }
0x5: {  	_ = 	snop  }
0x6: {  	_ = 	snop  }
0x7: {  	_ = 	snop  }
__scs_overlays_trampoline_lowered:
0x8: {  	[smem:$0x3FAE] =	sst s0  }
0x9: {  	[smem:$0x3FAF] =	sst s1  }
0xa: {  	[smem:$0x3FB0] =	sst s2  }
0xb: {  	[smem:$0x3FB1] =	sst s3  }
0xc: {  	[smem:$0x3FB2] =	sst s4  }
0xd: {  	[smem:$0x3FB3] =	sst s5  }
0xe: {  	[smem:$0x3FB4] =	sst s6  }
0xf: {  	[smem:$0x3FB5] =	sst s7  }
0x10: {  	[smem:$0x3FB6] =	sst s8  }
0x11: {  	[smem:$0x3FB7] =	sst s9;
	s0 =	simm.s32 @!p0 $0x0  }
0x12: {  	s1 =	sld [smem:$0x3F9D];
	s0 =	simm.s32 @p0 $0x1  }
0x13: {  	[smem:$0x3FB8] =	sst s0;
	s0 =	simm.s32 @!p1 $0x0  }
0x14: {  	s2 =	sld [smem:$0x3F9C];
	s0 =	simm.s32 @p1 $0x1  }
0x15: {  	[smem:$0x3FB9] =	sst s0;
	s0 =	simm.s32 @!p2 $0x0  }
0x16: {  	s3 =	sld [smem:$0x3FDB];
	s0 =	simm.s32 @p2 $0x1  }
0x17: {  	s4 =	simm.s32 $0x1BF5;
	[smem:$0x3FBB] =	sst s0  }
0x18: {  	s0 =	sld [smem:$0x3F9E];
	_ =	swait.ge [sflag:s4], $0x0  }
0x19: {  	s7 =	sld [smem:$0x3F9F]  }
0x1a: {  	s8 =	sadd.s32 $0xFFFFE003, lr  }
0x1b: {  	s9 =	sadd.s32 $0xFFFFFEF7, lr;
	s5 =	simm.s32 $0xFFFFFFFF;
	p2 =	slt.u32 s8, $0xFFFFF086  }
0x1c: {  	p1 =	slt.u32 s9, $0xF7A;
	s5 =	simm.s32 @!p2 $0x0  }
0x1d: {  	s5 =	simm.s32 @p1 $0x1;
	p0 =	seq.s32 s7, s2  }
0x1e: {  	s7 =	smul.u32 @!p0 $0xF7A, s2;
	p2 =	seq.s32 @!p0 s5, $0x0  }
0x1f: {  	s9 =	smul.u32 $0xF7A, s1;
	s8 =	simm.s32 @!p0 $0x1BF5;
	p2 =	por !p2, p0  }
0x20: {  	[sflag:s8] =	ssyncset.s32 @!p0 $0xFFFFF086;
	s6 =	sadd.s32 @!p0 s3, s7;
	s7 =	simm.s32 @!p0 $0x108  }
0x21: {  	s3 =	sadd.s32 s3, s9;
	s6 =	sadd.s32 @!p0 $0x88, s6;
	s7 =	simm.s32 @p2 $0x1082  }
0x22: {  	[simem:s7], [sflag:s8] =	dma.local @!p0 [hbm:s6], $0xF7A  }
0x23: {  	s9 =	sor.u32 $0xD0000000, s2;
	s6 =	simm.s32 $0x108;
	_ =	swait.ge @!p0 [sflag:s8], $0x0  }
0x24: {  	s3 =	sadd.s32 $0x88, s3;
	s6 =	simm.s32 @!p1 $0x1082;
	[sflag:s4] =	ssyncset.s32 $0xFFFFF086  }
0x25: {  	[simem:s6], [sflag:s4] =	dma.local [hbm:s3], $0xF7A  }
0x26: {  	[smem:$0x3F9F] =	sst s1;
	(tag) =	ssettag s2;
	_ =	strace s9  }
0x27: {  	s1 =	sld [smem:$0x3FAF]  }
0x28: {  	s2 =	sld [smem:$0x3FB0]  }
0x29: {  	s4 =	sld [smem:$0x3FB2]  }
0x2a: {  	p0 =	seq.s32 s5, $0x0;
	s5 =	sld [smem:$0x3FB3]  }
0x2b: {  	s6 =	sld [smem:$0x3FB4]  }
0x2c: {  	s7 =	sld [smem:$0x3FB5]  }
0x2d: {  	s3 =	simm.s32 $0x108;
	s8 =	sld [smem:$0x3FB6]  }
0x2e: {  	s3 =	simm.s32 @!p0 $0x1082;
	s9 =	sld [smem:$0x3FB7]  }
0x2f: {  	lr =	sadd.s32 s0, s3;
	s0 =	sld [smem:$0x3FAE]  }
0x30: {  	s3 =	sld [smem:$0x3FB1]  }
0x31: {  	[smem:$0x3FBA] =	sst s10  }
0x32: {  	s10 =	sld [smem:$0x3FB8];
	_ =	sdelay $0x3  }
0x33: {  	p0 =	seq.s32 s10, $0x1;
	s10 =	sld [smem:$0x3FBA];
	_ =	sdelay $0x3  }
0x34: {  	[smem:$0x3FBA] =	sst s10  }
0x35: {  	s10 =	sld [smem:$0x3FB9];
	_ =	sdelay $0x3  }
0x36: {  	p1 =	seq.s32 s10, $0x1;
	s10 =	sld [smem:$0x3FBA];
	_ =	sdelay $0x3  }
0x37: {  	[smem:$0x3FBA] =	sst s10  }
0x38: {  	s10 =	sld [smem:$0x3FBB]  }
0x39: {  	_ = 	snop;
	(pc) =	sbr.ind lr, $3  }
0x3a: {  	_ = 	snop  }
0x3b: {  	_ = 	snop  }
0x3c: {  	p2 =	seq.s32 s10, $0x1;
	s10 =	sld [smem:$0x3FBA]  }
0x3d: {  	_ =	shalt  }
0x3e: {  	_ =	shalt  }
0x3f: {  	_ =	shalt  }
0x40: {  	_ =	shalt  }
0x41: {  	_ =	shalt  }
0x42: {  	_ =	shalt  }
0x43: {  	_ =	shalt  }
0x44: {  	_ =	shalt  }
0x45: {  	_ =	shalt  }
0x46: {  	_ =	shalt  }
0x47: {  	_ =	shalt  }
0x48: {  	_ =	shalt  }
0x49: {  	_ =	shalt  }
0x4a: {  	_ =	shalt  }
0x4b: {  	_ =	shalt  }
0x4c: {  	_ =	shalt  }
0x4d: {  	_ =	shalt  }
0x4e: {  	_ =	shalt  }
0x4f: {  	_ =	shalt  }
0x50: {  	_ =	shalt  }
0x51: {  	_ =	shalt  }
0x52: {  	_ =	shalt  }
0x53: {  	_ =	shalt  }
0x54: {  	_ =	shalt  }
0x55: {  	_ =	shalt  }
0x56: {  	_ =	shalt  }
0x57: {  	_ =	shalt  }
0x58: {  	_ =	shalt  }
0x59: {  	_ =	shalt  }
0x5a: {  	_ =	shalt  }
0x5b: {  	_ =	shalt  }
0x5c: {  	_ =	shalt  }
0x5d: {  	_ =	shalt  }
0x5e: {  	_ =	shalt  }
0x5f: {  	_ =	shalt  }
0x60: {  	_ =	shalt  }
0x61: {  	_ =	shalt  }
0x62: {  	_ =	shalt  }
0x63: {  	_ =	shalt  }
0x64: {  	_ =	shalt  }
0x65: {  	_ =	shalt  }
0x66: {  	_ =	shalt  }
0x67: {  	_ =	shalt  }
0x68: {  	_ =	shalt  }
0x69: {  	_ =	shalt  }
0x6a: {  	_ =	shalt  }
0x6b: {  	_ =	shalt  }
0x6c: {  	_ =	shalt  }
0x6d: {  	_ =	shalt  }
0x6e: {  	_ =	shalt  }
0x6f: {  	_ =	shalt  }
0x70: {  	_ =	shalt  }
0x71: {  	_ =	shalt  }
0x72: {  	_ =	shalt  }
0x73: {  	_ =	shalt  }
0x74: {  	_ =	shalt  }
0x75: {  	_ =	shalt  }
0x76: {  	_ =	shalt  }
0x77: {  	_ =	shalt  }
0x78: {  	_ =	shalt  }
0x79: {  	_ =	shalt  }
0x7a: {  	_ =	shalt  }
0x7b: {  	_ =	shalt  }
0x7c: {  	_ =	shalt  }
0x7d: {  	_ =	shalt  }
0x7e: {  	_ =	shalt  }
0x7f: {  	_ =	shalt  }
0x80: {  	_ =	shalt  }
0x81: {  	_ =	shalt  }
0x82: {  	_ =	shalt  }
0x83: {  	_ =	shalt  }
0x84: {  	_ =	shalt  }
0x85: {  	_ =	shalt  }
0x86: {  	_ =	shalt  }
0x87: {  	_ =	shalt  }
.Lfunc_end0:
.L_simem_size_0:
called_computation_lowered:
.L_overlay_start_0:
0x88: {  	s2 =	sld [smem:$0x3FD9]  }
0x89: {  	s3 =	sld [smem:$0x3FFE];
	_ =	sdelay $0x1  }
0x8a: {  	s1 =	srdreg.scid  }
0x8b: {  	s0 =	sand.u32 $0x1, s1  }
0x8c: {  	s17 =	sshll.u32 s0, $0xA;
	s2 =	sadd.s32 s3, s2  }
0x8d: {  	s2 =	sadd.s32 s2, s17  }
0x8e: {  	[smem:$0x3FC6] =	sst s2  }
0x8f: {  	_ = 	snop  }
0x90: {  	s2 =	sld [smem:$0x3FC9];
	(tm) =	ssettm $0x1  }
0x91: {  	s18 =	sld [smem:$0x3FFB];
	_ =	sdelay $0x3  }
0x92: {  	_ =	strace s18  }
0x93: {  	s3 =	sld [smem:$0x3FFC];
	_ =	sdelay $0x3  }
0x94: {  	_ =	strace s3  }
0x95: {  	s3 =	sld [smem:$0x3FFD];
	_ =	sdelay $0x3  }
0x96: {  	_ =	strace s3  }
0x97: {  	_ =	strace $0x8FFFFFFF  }
0x98: {  	s19 =	sld [smem:$0x3FDB];
	_ =	sdelay $0x1  }
0x99: {  	s4 =	simm.s32 $_scs_section_size  }
0x9a: {  	s5 =	simm.s32 $_size__tile_overlayer_lowered;
	s6 =	simm.s32 $_tile_overlayer_lowered  }
0x9b: {  	s22 =	simm.s32 $0x1BFF;
	s21 =	sshll.u32 s6, $0x1;
	s3 =	sadd.s32 s4, s19  }
0x9c: {  	s7 =	simm.s32 $0x0;
	s20 =	sshll.u32 s5, $0x1;
	s5 =	sadd.s32 s21, s3  }
0x9d: {  	[timem:s7], [sflag:s22] =	dma.local [hbm:s5], s20  }
0x9e: {  	_ =	swait.ge [sflag:s22], s20  }
0x9f: {  	s4 =	ssub.s32 $0x0, s20;
	[sflag:s22] =	ssyncset.done $0x0  }
0xa0: {  	[sflag:s22] =	ssyncadd.s32 s4;
	_ =	sdelay $0x1  }
0xa1: {  	s23 =	simm.s32 $0x1B8B  }
0xa2: {  	_ =	swait.ge [sflag:s23], $0x1  }
0xa3: {  	[sflag:s23] =	ssyncset.done $0x0  }
0xa4: {  	s25 =	simm.s32 $0x1B8E;
	s24 =	sld [smem:$0x3FFE];
	[sflag:s23] =	ssyncadd.s32 $0xFFFFFFFF  }
0xa5: {  	s26 =	simm.s32 $execute0_lowered;
	[smem:$0x3FD2] =	sst s25  }
0xa6: {  	s5 =	sshll.u32 s26, $0x1;
	_ =	strace $0x80000046;
	[dreg:$0x1] =	wrdreg $0xFFFFFFFF  }
0xa7: {  	s28 =	simm.s32 $_size_execute0_lowered;
	s3 =	sadd.s32 s3, s5;
	[dreg:$0x0] =	wrdreg $0x0  }
0xa8: {  	s5 =	sshll.u32 s28, $0x1;
	[dreg:$0x2] =	wrdreg s3  }
0xa9: {  	[dreg:$0x3] =	wrdreg s5  }
0xaa: {  	[dreg:$0x4] =	wrdreg $0xC0  }
0xab: {  	_ =	task [dreg:s7], $0x5FFFF  }
0xac: {  	[dreg:$0x1] =	wrdreg $0xFFFFFFFF  }
0xad: {  	[dreg:$0x0] =	wrdreg $0x60  }
0xae: {  	[dreg:$0x2] =	wrdreg s2  }
0xaf: {  	[dreg:$0x3] =	wrdreg s24  }
0xb0: {  	[dreg:$0x4] =	wrdreg $0x0  }
0xb1: {  	[dreg:$0x5] =	wrdreg $0x9  }
0xb2: {  	_ =	task.clear_ibuf [dreg:s7], $0x6FFFF;
	_ =	strace $0x90000046  }
0xb3: {  	s29 =	simm.s32 $0x9;
	_ =	strace $0x80000048  }
0xb4: {  	_ =	swait.ge [sflag:s29], $0x1  }
0xb5: {  	[sflag:s29] =	ssyncadd.s32 $0xFFFFFFFF  }
0xb6: {  	_ =	strace $0x90000048  }
0xb7: {  	_ =	sfence  }
0xb8: {  	s30 =	sld [smem:$0x0];
	_ =	sdelay $0x2  }
0xb9: {  	s31 =	sshll.u32 s1, $0xD;
	s1 =	sshrl.u32 s1, $0x2  }
0xba: {  	s3 =	sand.u32 $0x4000, s31;
	s1 =	sadd.s32 s1, s30  }
0xbb: {  	s0 =	sor.u32 s3, s0;
	s1 =	sshll.u32 s1, $0x11  }
0xbc: {  	s0 =	sor.u32 s1, s0  }
0xbd: {  	s0 =	sadd.s32 $0x8F2B, s0  }
0xbe: {  	[sflag:s0] =	ssyncadd.remote.s32 $0x1  }
0xbf: {  	_ =	sfence.sel $0xFFFF  }
0xc0: {  	[dreg:$0x0] =	wrdreg $0xFFFFFFFF;
	(pc) =	sbr.abs _section_cstart, $3  }
0xc1: {  	[dreg:$0x1] =	wrdreg $0xFFFFFFFF  }
0xc2: {  	_ =	task.clear_ibuf [dreg:s7], $0x2FFFF;
	_ =	strace $0x9FFFFFFF  }
0xc3: {  	(tm) =	ssettm $0x7FFFFFFF  }
tec
execute0_lowered:
.L_overlay_start_1:
0x0: {  	(tag) =	ssettag $0x1  }
0x1: {  	s0 =	rddreg [dreg:$0x0]  }
0x2: {  	s1 =	rddreg [dreg:$0x1]  }
0x3: {  	s3 =	rddreg [dreg:$0x2]  }
0x4: {  	s4 =	simm.s32 $0x0;
	s2 =	srdreg.scid;
	s17 =	stileid.u32  }
0x5: {  	s14 =	simm.s32 $0x80;
	s15 =	simm.s32 $0x100;
	s21 =	simm.s32 $0x2  }
0x6: {  	s22 =	simm.s32 $0x12628;
	s23 =	simm.s32 $0x132A8;
	s24 =	simm.s32 $0x1  }
0x7: {  	s25 =	simm.s32 $0x3;
	s26 =	simm.s32 $0x15828;
	s28 =	simm.s32 $0x4  }
0x8: {  	s29 =	simm.s32 $0x0;
	[smem:$0x7FF] =	sst s4;
	s2 =	sand.u32 $0x1, s2  }
0x9: {  	s30 =	sshll.u32 s17, $0x1;
	s8 =	smul.u32 $0xF440, s17;
	s6 =	sadd.s32 $0x10, s1  }
0xa: {  	s18 =	sadd.s32 $0xE4FC0, s3;
	s9 =	sadd.s32 $0x1C9F8, s0;
	p0 =	seq.s32 s17, $0xF  }
0xb: {  	_ =	strace $0x80000047;
	s4 =	sor.u32 s2, s30;
	s2 =	ssub.s32 $0x2, s2  }
0xc: {  	s18 =	sshrl.u32 @p0 s18, $0x3;
	s5 =	sshll.u32 s4, $0x1;
	s7 =	smul.u32 $0x320, s4  }
0xd: {  	s31 =	sshrl.u32 s2, $0x1;
	s16 =	sadd.s32 s8, s3;
	s8 =	sshrl.u32 s8, $0x3  }
0xe: {  	s10 =	sor.u32 $0x20, s4;
	s11 =	sor.u32 $0x40, s4;
	s12 =	sadd.s32 s5, s1  }
0xf: {  	s2 =	ssub.s32 s2, s31;
	s8 =	sadd.s32 s0, s8;
	s0 =	sshll.u32 @!p0 s17, $0x6  }
0x10: {  	s20 =	sshrl.u32 @!p0 s16, $0x3;
	s5 =	sadd.s32 s1, s7;
	s7 =	sadd.s32 s7, s6  }
0x11: {  	s12 =	sadd.s32 $0x7A200, s12;
	s13 =	smax.u32 s2, $0x1;
	s19 =	sor.u32 @!p0 $0x1C04, s0  }
.LBB2_1:
0x12: {  	s0 =	simm.s32 $0xF428  }
0x13: {  	[tilespmem:s0], [sflag:$0x2] =	stream.strided.gather [hbm4b:s5+s14], $0xC80, s15, s14, $0x38;
	[tilespmem:$0x15838] =	vst v63  }
0x14: {  	s31 =	simm.s32 $0x100A8;
	s0 =	simm.s32 @p0 $0x1FC4  }
0x15: {  	[tilespmem:s31], [sflag:$0x2] =	stream.strided.gather [hbm4b:s7+s14], $0xC80, s15, s14, $0x38;
	[tilespmem:$0x15838] =	vst v63  }
0x16: {  	[spmem:s18], [sflag:s0] =	dma.local @p0 [hbm:s9], $0x1E50  }
0x17: {  	s0 =	simm.s32 @p0 $0x4  }
0x18: {  	_ =	swait.ge @p0 [sflag:s0], $0x1E50  }
0x19: {  	[sflag:s0] =	ssyncset.done @p0 $0x0  }
0x1a: {  	[sflag:s0] =	ssyncadd.s32 @p0 $0xFFFFE1B0;
	s0 =	simm.s32 @!p0 $0x4  }
0x1b: {  	[spmem:s20], [sflag:s19] =	dma.local @!p0 [hbm:s8], $0x1E88  }
0x1c: {  	_ =	swait.ge @!p0 [sflag:s0], $0x1E88  }
0x1d: {  	[sflag:s0] =	ssyncset.done @!p0 $0x0  }
0x1e: {  	[sflag:s0] =	ssyncadd.s32 @!p0 $0xFFFFE178  }
0x1f: {  	v0 =	vimm.f32 $0.0e+00;
	s30 =	simm.s32 $0x0;
	[bflag:$0x0] =	sbarrier.arrive $0xFFFF  }
.LBB2_2:
0x20: {  	_ =	swait.ge [sflag:s21], $0xC80  }
0x21: {  	[sflag:s21] =	ssyncset.done $0x0  }
0x22: {  	[sflag:s21] =	ssyncadd.s32 $0xFFFFF380  }
0x23: {  	_ =	swait.ge [sflag:s21], $0xC80  }
0x24: {  	s0 =	simm.s32 $0x10D28;
	[sflag:s21] =	ssyncset.done $0x0  }
0x25: {  	s2 =	simm.s32 $0xF428;
	s4 =	simm.s32 $0x119A8;
	[sflag:s21] =	ssyncadd.s32 $0xFFFFF380  }
0x26: {  	[tilespmem:s0], [sflag:$0x1] =	stream.indirect.gather [spmem:s3], $0x1, s2, s14, $0xb8;
	[tilespmem:$0x15838] =	vst v63  }
0x27: {  	s16 =	simm.s32 $0x100A8;
	s0 =	sshll.u32 s30, $0x6;
	s2 =	simm.s32 $0x200  }
.LBB2_3:
0x28: {  	[tilespmem:s4], [sflag:$0x1] =	stream.indirect.gather [spmem:s3], $0x1, s16, s14, $0xb8;
	[tilespmem:$0x15838] =	vst v63  }
0x29: {  	s4 =	smov.u32 s2;
	p1 =	sne.s32 s2, $0x3000  }
.Ltmp0:
0x2a: {  	s2 =	sadd.s32 $0x200, s2;
	(pc) =	sbr.rel @p1 .LBB2_3-.Ltmp0, $4  }
0x2b: {  	s16 =	sshra.s32 s4, $0x2  }
0x2c: {  	s4 =	sadd.s32 $0x10D28, s16;
	s31 =	sadd.s32 $0xF428, s16  }
0x2d: {  	[tilespmem:s4], [sflag:$0x1] =	stream.indirect.gather [spmem:s3], $0x1, s31, s14, $0xb8;
	[tilespmem:$0x15838] =	vst v63  }
0x2e: {  	s4 =	sadd.s32 $0x119A8, s16;
	s16 =	sadd.s32 $0x100A8, s16  }
0x2f: {  	s31 =	sor.u32 s10, s0  }
0x30: {  	s2 =	smin.u32 s31, $0x270  }
0x31: {  	s2 =	smul.u32 $0x320, s2  }
0x32: {  	[tilespmem:s4], [sflag:$0x1] =	stream.indirect.gather [spmem:s3], $0x1, s16, s14, $0xb8;
	[tilespmem:$0x15838] =	vst v63  }
0x33: {  	s16 =	sadd.s32 s1, s2  }
0x34: {  	[tilespmem:s22], [sflag:$0x3] =	stream.strided.gather [hbm4b:s16+s14], $0xC80, s15, s14, $0x38;
	[tilespmem:$0x15838] =	vst v63  }
0x35: {  	s2 =	sadd.s32 s2, s6  }
0x36: {  	[tilespmem:s23], [sflag:$0x3] =	stream.strided.gather [hbm4b:s2+s14], $0xC80, s15, s14, $0x38;
	[tilespmem:$0x15838] =	vst v63  }
0x37: {  	_ =	swait.ge [sflag:s24], $0x80  }
0x38: {  	[sflag:s24] =	ssyncset.done $0x0  }
0x39: {  	[sflag:s24] =	ssyncadd.s32 $0xFFFFFF80  }
0x3a: {  	_ =	swait.ge [sflag:s24], $0x80  }
0x3b: {  	[sflag:s24] =	ssyncset.done $0x0  }
0x3c: {  	s17 =	simm.s32 $0x0;
	[sflag:s24] =	ssyncadd.s32 $0xFFFFFF80  }
0x3d: {  	v1 =	vld [tilespmem:s17+$0x10D78]  }
0x3e: {  	v2 =	vld [tilespmem:s17+$0x11A18]  }
0x3f: {  	v4 =	vld [tilespmem:s17+$0x119E8]  }
0x40: {  	v3 =	vld [tilespmem:s17+$0x10D58]  }
0x41: {  	v5 =	vld [tilespmem:s17+$0x119C8]  }
0x42: {  	v6 =	vld [tilespmem:s17+$0x10D48]  }
0x43: {  	v7 =	vld [tilespmem:s17+$0x119D8]  }
0x44: {  	v8 =	vld [tilespmem:s17+$0x10D38]  }
0x45: {  	v10 =	vld [tilespmem:s17+$0x10D28]  }
0x46: {  	v11 =	vld [tilespmem:s17+$0x119A8]  }
0x47: {  	v9 =	vld [tilespmem:s17+$0x119B8]  }
0x48: {  	v12 =	vld [tilespmem:s17+$0x119F8]  }
0x49: {  	v13 =	vld [tilespmem:s17+$0x10D88]  }
0x4a: {  	v14 =	vld [tilespmem:s17+$0x11A08]  }
0x4b: {  	v15 =	vld [tilespmem:s17+$0x10D98];
	v5 =	vsub.f32 v5, v6;
	v6 =	vsub.f32 v11, v10  }
0x4c: {  	v16 =	vld [tilespmem:s17+$0x10D68];
	_ =	swait.ge [sflag:s24], $0x80;
	v3 =	vsub.f32 v7, v3;
	v7 =	vsub.f32 v9, v8  }
0x4d: {  	[sflag:s24] =	ssyncset.done $0x0;
	v1 =	vsub.f32 v12, v1;
	v6 =	vadd.f32 $1.000000000e+00, v6  }
0x4e: {  	[sflag:s24] =	ssyncadd.s32 $0xFFFFFF80;
	v8 =	vimm.f32 $0.0e+00;
	v9 =	vadd.f32 $1.000000000e+00, v3  }
0x4f: {  	_ =	swait.ge [sflag:s24], $0x80;
	v7 =	vadd.f32 $1.000000000e+00, v7;
	v3 =	vadd.f32 $1.000000000e+00, v1;
	v1 =	vmax.f32 v6, $0.0e+00  }
0x50: {  	[sflag:s24] =	ssyncset.done $0x0;
	v2 =	vsub.f32 v2, v15;
	v1 =	vadd.f32 v1, v8  }
0x51: {  	s2 =	simm.s32 $0x80;
	[sflag:s24] =	ssyncadd.s32 $0xFFFFFF80;
	v5 =	vadd.f32 $1.000000000e+00, v5;
	v10 =	vmax.f32 v7, $0.0e+00;
	v8 =	vsub.f32 v4, v16  }
0x52: {  	v7 =	vmax.f32 v9, $0.0e+00;
	v4 =	vadd.f32 $1.000000000e+00, v2;
	v2 =	vld [tilespmem:s2+$0x10D78];
	v9 =	vadd.f32 v10, v1  }
0x53: {  	s4 =	simm.s32 $0x400;
	v6 =	vmax.f32 v5, $0.0e+00;
	v5 =	vsub.f32 v14, v13;
	v8 =	vadd.f32 $1.000000000e+00, v8;
	v1 =	vld [tilespmem:s2+$0x11A18]  }
.LBB2_5:
0x54: {  	p1 =	sne.s32 s4, $0x3000;
	v10 =	vld [tilespmem:s2+$0x119E8];
	v6 =	vadd.f32 v6, v9;
	s16 =	smov.u32 s4;
	s4 =	sadd.s32 $0x200, s4  }
0x55: {  	v9 =	vld [tilespmem:s2+$0x10D58]  }
0x56: {  	v11 =	vld [tilespmem:s2+$0x119C8];
	v6 =	vadd.f32 v7, v6;
	v7 =	vmax.f32 v8, $0.0e+00  }
0x57: {  	v3 =	vmax.f32 v3, $0.0e+00;
	v5 =	vadd.f32 $1.000000000e+00, v5;
	v8 =	vld [tilespmem:s2+$0x10D48]  }
0x58: {  	v12 =	vld [tilespmem:s2+$0x119D8];
	v6 =	vadd.f32 v7, v6  }
0x59: {  	v5 =	vmax.f32 v5, $0.0e+00;
	v7 =	vld [tilespmem:s2+$0x10D38]  }
0x5a: {  	v13 =	vld [tilespmem:s2+$0x119B8];
	v3 =	vadd.f32 v3, v6  }
0x5b: {  	v4 =	vmax.f32 v4, $0.0e+00;
	v6 =	vld [tilespmem:s2+$0x10D28]  }
0x5c: {  	v14 =	vld [tilespmem:s2+$0x119A8];
	v8 =	vsub.f32 v11, v8;
	v3 =	vadd.f32 v5, v3  }
0x5d: {  	v5 =	vsub.f32 v12, v9;
	v9 =	vld [tilespmem:s2+$0x119F8]  }
0x5e: {  	v8 =	vadd.f32 $1.000000000e+00, v8;
	v11 =	vld [tilespmem:s2+$0x10D88];
	v4 =	vadd.f32 v4, v3  }
0x5f: {  	v3 =	vsub.f32 v13, v7;
	v5 =	vadd.f32 $1.000000000e+00, v5;
	v12 =	vld [tilespmem:s2+$0x11A08]  }
0x60: {  	v13 =	vld [tilespmem:s2+$0x10D98]  }
0x61: {  	v7 =	vsub.f32 v14, v6;
	v14 =	vadd.f32 $1.000000000e+00, v3;
	v6 =	vmax.f32 v8, $0.0e+00;
	v8 =	vld [tilespmem:s2+$0x10D68]  }
0x62: {  	_ =	swait.ge [sflag:s24], $0x80;
	v2 =	vsub.f32 v9, v2  }
0x63: {  	[sflag:s24] =	ssyncset.done $0x0;
	v9 =	vadd.f32 $1.000000000e+00, v7;
	v7 =	vmax.f32 v5, $0.0e+00  }
0x64: {  	[sflag:s24] =	ssyncadd.s32 $0xFFFFFF80;
	v3 =	vadd.f32 $1.000000000e+00, v2;
	v5 =	vsub.f32 v12, v11  }
.Ltmp1:
0x65: {  	_ =	swait.ge [sflag:s24], $0x80;
	v2 =	vmax.f32 v9, $0.0e+00;
	v1 =	vsub.f32 v1, v13;
	(pc) =	sbr.rel @p1 .LBB2_5-.Ltmp1, $4  }
0x66: {  	v11 =	vmax.f32 v14, $0.0e+00;
	[sflag:s24] =	ssyncset.done $0x0;
	v9 =	vadd.f32 v2, v4;
	v8 =	vsub.f32 v10, v8  }
0x67: {  	s2 =	sshra.s32 s16, $0x2;
	[sflag:s24] =	ssyncadd.s32 $0xFFFFFF80;
	v4 =	vadd.f32 $1.000000000e+00, v1  }
0x68: {  	v2 =	vld [tilespmem:s2+$0x10D78];
	v9 =	vadd.f32 v11, v9;
	v8 =	vadd.f32 $1.000000000e+00, v8  }
0x69: {  	v1 =	vld [tilespmem:s2+$0x11A18]  }
0x6a: {  	v6 =	vadd.f32 v6, v9  }
0x6b: {  	v49 =	vld [tilespmem:s2+$0x10D28]  }
0x6c: {  	v50 =	vld [tilespmem:s2+$0x119A8];
	v6 =	vadd.f32 v7, v6  }
0x6d: {  	v8 =	vmax.f32 v8, $0.0e+00;
	v10 =	vld [tilespmem:s2+$0x10D38]  }
0x6e: {  	v51 =	vld [tilespmem:s2+$0x119B8];
	v6 =	vadd.f32 v8, v6  }
0x6f: {  	v11 =	vld [tilespmem:s2+$0x119C8];
	v3 =	vmax.f32 v3, $0.0e+00;
	v5 =	vadd.f32 $1.000000000e+00, v5  }
0x70: {  	v12 =	vld [tilespmem:s2+$0x10D48];
	v3 =	vadd.f32 v3, v6  }
0x71: {  	v52 =	vld [tilespmem:s2+$0x10D58];
	v5 =	vmax.f32 v5, $0.0e+00;
	v7 =	vsub.f32 v50, v49  }
0x72: {  	v53 =	vld [tilespmem:s2+$0x119D8];
	v3 =	vadd.f32 v5, v3  }
0x73: {  	v54 =	vld [tilespmem:s2+$0x119E8];
	v4 =	vmax.f32 v4, $0.0e+00;
	v8 =	vsub.f32 v51, v10;
	v7 =	vadd.f32 $1.000000000e+00, v7  }
0x74: {  	v55 =	vld [tilespmem:s2+$0x10D68];
	v3 =	vadd.f32 v4, v3  }
0x75: {  	v56 =	vsub.f32 v11, v12;
	v8 =	vadd.f32 $1.000000000e+00, v8;
	v7 =	vmax.f32 v7, $0.0e+00  }
0x76: {  	v57 =	vld [tilespmem:s2+$0x119F8];
	v3 =	vadd.f32 v7, v3  }
0x77: {  	v59 =	vld [tilespmem:s2+$0x10D88];
	v6 =	vsub.f32 v53, v52;
	v58 =	vadd.f32 $1.000000000e+00, v56;
	v8 =	vmax.f32 v8, $0.0e+00  }
0x78: {  	v60 =	vld [tilespmem:s2+$0x11A08];
	v3 =	vadd.f32 v8, v3  }
0x79: {  	v6 =	vadd.f32 $1.000000000e+00, v6;
	v4 =	vsub.f32 v54, v55;
	v7 =	vmax.f32 v58, $0.0e+00  }
0x7a: {  	v61 =	vld [tilespmem:s2+$0x10D98];
	v3 =	vadd.f32 v7, v3  }
0x7b: {  	v2 =	vsub.f32 v57, v2;
	v6 =	vmax.f32 v6, $0.0e+00;
	v4 =	vadd.f32 $1.000000000e+00, v4  }
0x7c: {  	v3 =	vadd.f32 v6, v3  }
0x7d: {  	v62 =	vsub.f32 v60, v59;
	v2 =	vadd.f32 $1.000000000e+00, v2;
	v4 =	vmax.f32 v4, $0.0e+00  }
0x7e: {  	v3 =	vadd.f32 v4, v3  }
0x7f: {  	_ =	swait.ge [sflag:s25], $0xC80;
	p1 =	sgt.u32 s31, $0x270;
	v1 =	vsub.f32 v1, v61;
	v63 =	vadd.f32 $1.000000000e+00, v62;
	v2 =	vmax.f32 v2, $0.0e+00  }
.Ltmp2:
0x80: {  	[sflag:s25] =	ssyncset.done $0x0;
	v2 =	vadd.f32 v2, v3;
	(pc) =	sbr.rel @p1 .LBB2_10-.Ltmp2, $4  }
0x81: {  	[sflag:s25] =	ssyncadd.s32 $0xFFFFF380;
	v1 =	vadd.f32 $1.000000000e+00, v1;
	v3 =	vmax.f32 v63, $0.0e+00  }
0x82: {  	_ =	swait.ge [sflag:s25], $0xC80;
	v2 =	vadd.f32 v3, v2  }
0x83: {  	[sflag:s25] =	ssyncset.done $0x0;
	v1 =	vmax.f32 v1, $0.0e+00  }
0x84: {  	[sflag:s25] =	ssyncadd.s32 $0xFFFFF380;
	v1 =	vadd.f32 v1, v2  }
0x85: {  	s2 =	simm.s32 $0x13F28;
	s4 =	simm.s32 $0x12628  }
0x86: {  	[tilespmem:s2], [sflag:$0x1] =	stream.indirect.gather [spmem:s3], $0x1, s4, s14, $0xb8;
	[tilespmem:$0x15838] =	vst v63  }
0x87: {  	s16 =	simm.s32 $0x132A8;
	s2 =	simm.s32 $0x200;
	s4 =	simm.s32 $0x14BA8  }
.LBB2_8:
0x88: {  	[tilespmem:s4], [sflag:$0x1] =	stream.indirect.gather [spmem:s3], $0x1, s16, s14, $0xb8;
	[tilespmem:$0x15838] =	vst v63  }
0x89: {  	s4 =	smov.u32 s2;
	p2 =	sne.s32 s2, $0x3000  }
.Ltmp3:
0x8a: {  	s2 =	sadd.s32 $0x200, s2;
	(pc) =	sbr.rel @p2 .LBB2_8-.Ltmp3, $4  }
0x8b: {  	s16 =	sshra.s32 s4, $0x2  }
0x8c: {  	s4 =	sadd.s32 $0x13F28, s16;
	s17 =	sadd.s32 $0x12628, s16  }
0x8d: {  	[tilespmem:s4], [sflag:$0x1] =	stream.indirect.gather [spmem:s3], $0x1, s17, s14, $0xb8;
	[tilespmem:$0x15838] =	vst v63  }
0x8e: {  	s4 =	sadd.s32 $0x14BA8, s16;
	s16 =	sadd.s32 $0x132A8, s16  }
0x8f: {  	[tilespmem:s4], [sflag:$0x1] =	stream.indirect.gather [spmem:s3], $0x1, s16, s14, $0xb8;
	[tilespmem:$0x15838] =	vst v63  }
.LBB2_10:
0x90: {  	p2 =	seq.s32 s30, $0x9  }
0x91: {  	s0 =	sadd.s32 @!p2 s11, s0  }
0x92: {  	s0 =	smin.u32 @!p2 s0, $0x270  }
0x93: {  	s0 =	smul.u32 @!p2 $0x320, s0  }
0x94: {  	s4 =	simm.s32 @!p2 $0x80  }
0x95: {  	s16 =	simm.s32 @!p2 $0x100;
	s17 =	simm.s32 @!p2 $0xF428;
	s2 =	sadd.s32 @!p2 s1, s0  }
0x96: {  	[tilespmem:s17], [sflag:$0x2] =	stream.strided.gather @!p2 [hbm4b:s2+s4], $0xC80, s16, s4, $0x38;
	[tilespmem:$0x15838] =	vst v63  }
0x97: {  	s0 =	sadd.s32 @!p2 s0, s6;
	s2 =	simm.s32 @!p2 $0x100A8  }
0x98: {  	[tilespmem:s2], [sflag:$0x2] =	stream.strided.gather @!p2 [hbm4b:s0+s4], $0xC80, s16, s4, $0x38;
	[tilespmem:$0x15838] =	vst v63  }
0x99: {  	s0 =	simm.s32 @!p1 $0x1  }
0x9a: {  	_ =	swait.ge @!p1 [sflag:s0], $0x80  }
0x9b: {  	[sflag:s0] =	ssyncset.done @!p1 $0x0  }
0x9c: {  	[sflag:s0] =	ssyncadd.s32 @!p1 $0xFFFFFF80  }
0x9d: {  	_ =	swait.ge @!p1 [sflag:s0], $0x80  }
0x9e: {  	[sflag:s0] =	ssyncset.done @!p1 $0x0  }
0x9f: {  	s17 =	simm.s32 $0x0;
	[sflag:s0] =	ssyncadd.s32 @!p1 $0xFFFFFF80  }
0xa0: {  	v2 =	vld [tilespmem:s17+$0x13F78]  }
0xa1: {  	v4 =	vld [tilespmem:s17+$0x14C18]  }
0xa2: {  	v5 =	vld [tilespmem:s17+$0x14BE8]  }
0xa3: {  	v3 =	vld [tilespmem:s17+$0x13F58]  }
0xa4: {  	v6 =	vld [tilespmem:s17+$0x14BC8]  }
0xa5: {  	v7 =	vld [tilespmem:s17+$0x13F48]  }
0xa6: {  	v8 =	vld [tilespmem:s17+$0x14BD8]  }
0xa7: {  	v9 =	vld [tilespmem:s17+$0x13F38]  }
0xa8: {  	v11 =	vld [tilespmem:s17+$0x13F28]  }
0xa9: {  	v12 =	vld [tilespmem:s17+$0x14BA8]  }
0xaa: {  	v10 =	vld [tilespmem:s17+$0x14BB8]  }
0xab: {  	v13 =	vld [tilespmem:s17+$0x14BF8]  }
0xac: {  	v14 =	vld [tilespmem:s17+$0x13F88]  }
0xad: {  	v0 =	vadd.f32 v1, v0;
	v15 =	vld [tilespmem:s17+$0x14C08]  }
0xae: {  	v16 =	vld [tilespmem:s17+$0x13F98];
	v1 =	vsub.f32 v6, v7;
	v6 =	vsub.f32 v12, v11  }
0xaf: {  	v7 =	vld [tilespmem:s17+$0x13F68];
	v3 =	vsub.f32 v8, v3;
	_ =	swait.ge @!p1 [sflag:s0], $0x80;
	v8 =	vsub.f32 v10, v9  }
0xb0: {  	v2 =	vsub.f32 v13, v2;
	[sflag:s0] =	ssyncset.done @!p1 $0x0;
	v6 =	vadd.f32 $1.000000000e+00, v6  }
0xb1: {  	v9 =	vimm.f32 $0.0e+00;
	v1 =	vadd.f32 $1.000000000e+00, v1;
	[sflag:s0] =	ssyncadd.s32 @!p1 $0xFFFFFF80;
	v10 =	vadd.f32 $1.000000000e+00, v3  }
0xb2: {  	v8 =	vadd.f32 $1.000000000e+00, v8;
	v3 =	vadd.f32 $1.000000000e+00, v2;
	_ =	swait.ge @!p1 [sflag:s0], $0x80;
	v2 =	vmax.f32 v6, $0.0e+00  }
0xb3: {  	v4 =	vsub.f32 v4, v16;
	[sflag:s0] =	ssyncset.done @!p1 $0x0;
	v6 =	vmax.f32 v1, $0.0e+00;
	v1 =	vadd.f32 v2, v9  }
0xb4: {  	s2 =	simm.s32 $0x80;
	v8 =	vmax.f32 v8, $0.0e+00;
	v11 =	vsub.f32 v5, v7;
	[sflag:s0] =	ssyncadd.s32 @!p1 $0xFFFFFF80  }
0xb5: {  	v4 =	vadd.f32 $1.000000000e+00, v4;
	v2 =	vld [tilespmem:s2+$0x13F78];
	v9 =	vadd.f32 v8, v1  }
0xb6: {  	s4 =	simm.s32 $0x400;
	v5 =	vsub.f32 v15, v14;
	v7 =	vmax.f32 v10, $0.0e+00;
	v8 =	vadd.f32 $1.000000000e+00, v11;
	v1 =	vld [tilespmem:s2+$0x14C18]  }
.LBB2_11:
0xb7: {  	v10 =	vld [tilespmem:s2+$0x14BE8];
	v6 =	vadd.f32 v6, v9;
	s16 =	smov.u32 s4;
	s4 =	sadd.s32 $0x200, s4  }
0xb8: {  	p2 =	sne.s32 s4, $0x3200;
	v9 =	vld [tilespmem:s2+$0x13F58]  }
0xb9: {  	v11 =	vld [tilespmem:s2+$0x14BC8];
	v6 =	vadd.f32 v7, v6;
	v7 =	vmax.f32 v8, $0.0e+00  }
0xba: {  	v3 =	vmax.f32 v3, $0.0e+00;
	v5 =	vadd.f32 $1.000000000e+00, v5;
	v8 =	vld [tilespmem:s2+$0x13F48]  }
0xbb: {  	v12 =	vld [tilespmem:s2+$0x14BD8];
	v6 =	vadd.f32 v7, v6  }
0xbc: {  	v5 =	vmax.f32 v5, $0.0e+00;
	v7 =	vld [tilespmem:s2+$0x13F38]  }
0xbd: {  	v13 =	vld [tilespmem:s2+$0x14BB8];
	v3 =	vadd.f32 v3, v6  }
0xbe: {  	v4 =	vmax.f32 v4, $0.0e+00;
	v6 =	vld [tilespmem:s2+$0x13F28]  }
0xbf: {  	v14 =	vld [tilespmem:s2+$0x14BA8];
	v8 =	vsub.f32 v11, v8;
	v3 =	vadd.f32 v5, v3  }
0xc0: {  	v5 =	vsub.f32 v12, v9;
	v9 =	vld [tilespmem:s2+$0x14BF8]  }
0xc1: {  	v8 =	vadd.f32 $1.000000000e+00, v8;
	v11 =	vld [tilespmem:s2+$0x13F88];
	v4 =	vadd.f32 v4, v3  }
0xc2: {  	v3 =	vsub.f32 v13, v7;
	v5 =	vadd.f32 $1.000000000e+00, v5;
	v12 =	vld [tilespmem:s2+$0x14C08]  }
0xc3: {  	v13 =	vld [tilespmem:s2+$0x13F98]  }
0xc4: {  	v7 =	vsub.f32 v14, v6;
	v14 =	vadd.f32 $1.000000000e+00, v3;
	v6 =	vmax.f32 v8, $0.0e+00;
	v8 =	vld [tilespmem:s2+$0x13F68]  }
0xc5: {  	_ =	swait.ge @!p1 [sflag:s0], $0x80;
	v2 =	vsub.f32 v9, v2  }
0xc6: {  	[sflag:s0] =	ssyncset.done @!p1 $0x0;
	v9 =	vadd.f32 $1.000000000e+00, v7;
	v7 =	vmax.f32 v5, $0.0e+00  }
0xc7: {  	[sflag:s0] =	ssyncadd.s32 @!p1 $0xFFFFFF80;
	v3 =	vadd.f32 $1.000000000e+00, v2;
	v5 =	vsub.f32 v12, v11  }
.Ltmp4:
0xc8: {  	_ =	swait.ge @!p1 [sflag:s0], $0x80;
	v2 =	vmax.f32 v9, $0.0e+00;
	v1 =	vsub.f32 v1, v13;
	(pc) =	sbr.rel @p2 .LBB2_11-.Ltmp4, $4  }
0xc9: {  	v11 =	vmax.f32 v14, $0.0e+00;
	[sflag:s0] =	ssyncset.done @!p1 $0x0;
	v9 =	vadd.f32 v2, v4;
	v8 =	vsub.f32 v10, v8  }
0xca: {  	s2 =	sshra.s32 s16, $0x2;
	[sflag:s0] =	ssyncadd.s32 @!p1 $0xFFFFFF80;
	v4 =	vadd.f32 $1.000000000e+00, v1  }
0xcb: {  	v2 =	vld [tilespmem:s2+$0x13F78];
	v9 =	vadd.f32 v11, v9;
	v8 =	vadd.f32 $1.000000000e+00, v8  }
0xcc: {  	v1 =	vld [tilespmem:s2+$0x14C18]  }
0xcd: {  	v6 =	vadd.f32 v6, v9  }
0xce: {  	v49 =	vld [tilespmem:s2+$0x13F28]  }
0xcf: {  	v50 =	vld [tilespmem:s2+$0x14BA8];
	v6 =	vadd.f32 v7, v6  }
0xd0: {  	v8 =	vmax.f32 v8, $0.0e+00;
	v10 =	vld [tilespmem:s2+$0x13F38]  }
0xd1: {  	v51 =	vld [tilespmem:s2+$0x14BB8];
	v6 =	vadd.f32 v8, v6  }
0xd2: {  	v11 =	vld [tilespmem:s2+$0x14BC8];
	v3 =	vmax.f32 v3, $0.0e+00;
	v5 =	vadd.f32 $1.000000000e+00, v5  }
0xd3: {  	v12 =	vld [tilespmem:s2+$0x13F48];
	v3 =	vadd.f32 v3, v6  }
0xd4: {  	v52 =	vld [tilespmem:s2+$0x13F58];
	v5 =	vmax.f32 v5, $0.0e+00;
	v7 =	vsub.f32 v50, v49  }
0xd5: {  	v53 =	vld [tilespmem:s2+$0x14BD8];
	v3 =	vadd.f32 v5, v3  }
0xd6: {  	v54 =	vld [tilespmem:s2+$0x14BE8];
	v4 =	vmax.f32 v4, $0.0e+00;
	v8 =	vsub.f32 v51, v10;
	v7 =	vadd.f32 $1.000000000e+00, v7  }
0xd7: {  	v55 =	vld [tilespmem:s2+$0x13F68];
	v3 =	vadd.f32 v4, v3  }
0xd8: {  	v56 =	vsub.f32 v11, v12;
	v8 =	vadd.f32 $1.000000000e+00, v8;
	v7 =	vmax.f32 v7, $0.0e+00  }
0xd9: {  	v57 =	vld [tilespmem:s2+$0x14BF8];
	v3 =	vadd.f32 v7, v3  }
0xda: {  	v59 =	vld [tilespmem:s2+$0x13F88];
	v6 =	vsub.f32 v53, v52;
	v58 =	vadd.f32 $1.000000000e+00, v56;
	v8 =	vmax.f32 v8, $0.0e+00  }
0xdb: {  	v60 =	vld [tilespmem:s2+$0x14C08];
	v3 =	vadd.f32 v8, v3  }
0xdc: {  	v6 =	vadd.f32 $1.000000000e+00, v6;
	v4 =	vsub.f32 v54, v55;
	v7 =	vmax.f32 v58, $0.0e+00  }
0xdd: {  	v61 =	vld [tilespmem:s2+$0x13F98];
	v3 =	vadd.f32 v7, v3  }
0xde: {  	v2 =	vsub.f32 v57, v2;
	v6 =	vmax.f32 v6, $0.0e+00;
	v4 =	vadd.f32 $1.000000000e+00, v4  }
0xdf: {  	v3 =	vadd.f32 v6, v3  }
0xe0: {  	v62 =	vsub.f32 v60, v59;
	v2 =	vadd.f32 $1.000000000e+00, v2;
	v4 =	vmax.f32 v4, $0.0e+00  }
0xe1: {  	v3 =	vadd.f32 v4, v3  }
0xe2: {  	v1 =	vsub.f32 v1, v61;
	v63 =	vadd.f32 $1.000000000e+00, v62;
	v2 =	vmax.f32 v2, $0.0e+00  }
0xe3: {  	v2 =	vadd.f32 v2, v3  }
0xe4: {  	v1 =	vadd.f32 $1.000000000e+00, v1;
	v3 =	vmax.f32 v63, $0.0e+00  }
0xe5: {  	v2 =	vadd.f32 v3, v2  }
0xe6: {  	v1 =	vmax.f32 v1, $0.0e+00  }
0xe7: {  	v1 =	vadd.f32 v1, v2  }
0xe8: {  	p1 =	slt.u32 s31, $0x271;
	s30 =	sadd.s32 $0x1, s30  }
0xe9: {  	v1 =	vpsel !p1, $0x0, v1;
	p1 =	sne.s32 s30, $0xA  }
.Ltmp5:
0xea: {  	_ = 	snop;
	(pc) =	sbr.rel @p1 .LBB2_2-.Ltmp5, $2  }
0xeb: {  	_ =	sdelay $0x2  }
0xec: {  	v0 =	vadd.f32 v1, v0  }
0xed: {  	s29 =	sadd.s32 $0x1, s29  }
0xee: {  	p1 =	sne.s32 s29, s13  }
.Ltmp6:
0xef: {  	s0 =	simm.s32 $0x0;
	[tilespmem:$0x15828] =	vst v0;
	(pc) =	sbr.rel @p1 .LBB2_1-.Ltmp6, $4  }
0xf0: {  	[hbm4b:s12+s0] =	stream.linear.scatter [tilespmem:s26], [sflag:$0x4], $0x10, $0x38;
	[tilespmem:$0x15838] =	vst v63  }
0xf1: {  	_ =	swait.ge [sflag:s28], $0x10  }
0xf2: {  	[sflag:s28] =	ssyncset.done $0x0  }
0xf3: {  	[sflag:s28] =	ssyncadd.s32 $0xFFFFFFF0  }
0xf4: {  	_ =	sfence.sel $0x180000  }
0xf5: {  	[bflag:$0x0] =	sbarrier.arrive $0xFFFF  }
0xf6: {  	_ =	strace $0x90000047  }
0xf7: {  	s0 =	stileid.u32;
	[bflag:$0x2] =	sbarrier.arrive $0xFFFF  }
0xf8: {  	p0 =	sne.s32 s0, $0x0;
	s0 =	rddreg [dreg:$0x3]  }
0xf9: {  	s0 =	sadd.s32 @!p0 $0x100000, s0  }
0xfa: {  	[sflag:s0] =	ssyncadd.tile.s32 @!p0 $0x1;
	_ =	shalt  }
.Lfunc_end2:
_tile_overlayer_lowered:
.L_overlay_start_2:
0xfb: {  	(tag) =	ssettag $0x2  }
0xfc: {  	s0 =	rddreg [dreg:$0x0];
	s2 =	stileid.u32  }
0xfd: {  	s1 =	rddreg [dreg:$0x1];
	p0 =	sne.s32 s2, $0x0  }
0xfe: {  	s3 =	rddreg [dreg:$0x2];
	[bflag:$0x3] =	sbarrier.arrive $0xFFFF;
	s2 =	simm.s32 @!p0 $0x1C04  }
0xff: {  	[timem:s3], [sflag:s2] =	dma.local @!p0 [hbm:s0], s1  }
0x100: {  	s0 =	simm.s32 @!p0 $0x4  }
0x101: {  	_ =	swait.ge @!p0 [sflag:s0], s1  }
0x102: {  	s1 =	ssub.s32 @!p0 $0x0, s1;
	[sflag:s0] =	ssyncset.done @!p0 $0x0  }
0x103: {  	[sflag:s0] =	ssyncadd.s32 @!p0 s1  }
0x104: {  	[bflag:$0x3] =	sbarrier.arrive $0xFFFF  }
0x105: {  	_ =	shalt  }

</sc_bundles>
